<compile_context>
chip_gen: v7x
topology: tpu7x:2x2x1
jax: 0.10.2.dev20260603
libtpu: 0.0.44.dev20260713+nightly
codegen_flags: <defaults>
</compile_context>

<pallas_src>
import functools

import jax
import jax.numpy as jnp
import numpy as np
from jax import lax
from jax.experimental import pallas as pl
from jax.experimental.pallas import tpu as pltpu
from jax.experimental.pallas import tpu_sc as plsc

INTERPRET = False

_INF = np.float32(np.inf)



def _fps_body(s_total, feat_ref, out_ref, dists_ref):
    feat = feat_ref[...]
    B, C, N = feat.shape
    pts = feat[:, 0:3, :]
    d0 = jnp.sum((pts - pts[:, :, 0:1]) ** 2, axis=1)
    dists_ref[...] = d0

    ii = lax.broadcasted_iota(jnp.int32, (B, N), 1)
    lane = lax.broadcasted_iota(jnp.int32, (1, 1, 128), 2)

    def body(t, acc):
        d = dists_ref[...]
        m = jnp.max(d, axis=1, keepdims=True)
        idx = jnp.min(jnp.where(d == m, ii, N), axis=1, keepdims=True)
        oh = (ii == idx).astype(jnp.float32)
        sel = jnp.sum(feat * oh[:, None, :], axis=2, keepdims=True)
        acc = jnp.where(lane == t % 128, sel, acc)
        pn = sel[:, 0:3, :]
        dn = jnp.sum((pts - pn) ** 2, axis=1)
        dists_ref[...] = jnp.minimum(d, dn)
        return acc

    for seg in range(s_total // 128):
        lo = seg * 128
        if seg == 0:
            acc0 = jnp.where(lane == 0, feat[:, :, 0:1], 0.0)
            acc0 = jnp.broadcast_to(acc0, (B, C, 128))
            acc = lax.fori_loop(1, 128, body, acc0)
        else:
            acc = lax.fori_loop(lo, lo + 128, body,
                                jnp.zeros((B, C, 128), jnp.float32))
        out_ref[:, :, lo:lo + 128] = acc


def _fps_call(feat, s_total):
    B, C, N = feat.shape
    return pl.pallas_call(
        functools.partial(_fps_body, s_total),
        out_shape=jax.ShapeDtypeStruct((B, C, s_total), jnp.float32),
        scratch_shapes=[pltpu.VMEM((B, N), jnp.float32)],
        interpret=INTERPRET,
    )(feat)



def _feat_body(cat_ref, w1_ref, b1_ref, y_ref):
    y_ref[0] = cat_ref[0] @ w1_ref[...] + b1_ref[...]


def _feat_call(cat_src, w1, b1):
    B, nsrc, cin = cat_src.shape
    c1 = w1.shape[1]
    return pl.pallas_call(
        _feat_body,
        grid=(B,),
        in_specs=[
            pl.BlockSpec((1, nsrc, cin), lambda b: (b, 0, 0)),
            pl.BlockSpec(w1.shape, lambda b: (0, 0)),
            pl.BlockSpec((1, c1), lambda b: (0, 0)),
        ],
        out_specs=pl.BlockSpec((1, nsrc, c1), lambda b: (b, 0, 0)),
        out_shape=jax.ShapeDtypeStruct((B, nsrc, c1), jnp.float32),
        interpret=INTERPRET,
    )(cat_src, w1, b1.reshape(1, -1))



def _topk_body(nsrc, db, k_nbr, r2, posT_ref, pd_ref, idx_ref, msk_ref):
    b = pl.program_id(0)
    posT = posT_ref[0]
    pd = pd_ref[0]
    d2 = ((pd[:, 0:1] - posT[0:1, :]) ** 2
          + (pd[:, 1:2] - posT[1:2, :]) ** 2
          + (pd[:, 2:3] - posT[2:3, :]) ** 2)
    within = d2 <= r2
    count = jnp.sum(within.astype(jnp.int32), axis=1, keepdims=True)
    d2w = jnp.where(within, d2, _INF)

    base = b * nsrc
    ii = lax.broadcasted_iota(jnp.int32, (db, nsrc), 1)
    lane = lax.broadcasted_iota(jnp.int32, (db, k_nbr), 1)

    def body(k, carry):
        d2w, acc = carry
        m = jnp.min(d2w, axis=1, keepdims=True)
        idx = jnp.min(jnp.where(d2w == m, ii, nsrc), axis=1, keepdims=True)
        oh = (ii == idx)
        acc = jnp.where(lane == k, idx + base, acc)
        return jnp.where(oh, _INF, d2w), acc

    kmax = jnp.minimum(jnp.max(count), k_nbr)
    acc0 = jnp.full((db, k_nbr), base, jnp.int32)
    _, acc = lax.fori_loop(0, kmax, body, (d2w, acc0))
    idx_ref[0] = acc
    msk_ref[0] = (lane < count).astype(jnp.float32)


def _topk_call(pos_srcT, pos_dst, r, db, k_nbr):
    B = pos_srcT.shape[0]
    nsrc = pos_srcT.shape[2]
    S = pos_dst.shape[1]
    grid = (B, S // db)
    body = functools.partial(_topk_body, nsrc, db, k_nbr, np.float32(r * r))
    return pl.pallas_call(
        body,
        grid=grid,
        in_specs=[
            pl.BlockSpec((1, 3, nsrc), lambda b, j: (b, 0, 0)),
            pl.BlockSpec((1, db, 3), lambda b, j: (b, j, 0)),
        ],
        out_specs=[
            pl.BlockSpec((1, db, k_nbr), lambda b, j: (b, j, 0)),
            pl.BlockSpec((1, db, k_nbr), lambda b, j: (b, j, 0)),
        ],
        out_shape=[
            jax.ShapeDtypeStruct((B, S, k_nbr), jnp.int32),
            jax.ShapeDtypeStruct((B, S, k_nbr), jnp.float32),
        ],
        interpret=INTERPRET,
    )(pos_srcT, pos_dst)



_CHUNK = 128


def _gather_call(table, idx_flat):
    R, D = table.shape
    E = idx_flat.shape[0]
    info = plsc.get_sparse_core_info()
    NW = info.num_cores * info.num_subcores
    assert E % (NW * _CHUNK) == 0
    e_per_w = E // NW
    n_chunks = e_per_w // _CHUNK
    idx2 = idx_flat.reshape(NW * n_chunks, _CHUNK)
    out3 = jax.ShapeDtypeStruct((NW * n_chunks, _CHUNK, D), jnp.float32)
    mesh = plsc.VectorSubcoreMesh(core_axis_name="c", subcore_axis_name="s")

    nbuf = 4
    assert n_chunks % nbuf == 0

    @functools.partial(
        pl.kernel, mesh=mesh, out_type=out3,
        scratch_types=[
            pltpu.VMEM((n_chunks, _CHUNK), jnp.int32),
        ] + [pltpu.VMEM((_CHUNK, D), jnp.float32) for _ in range(nbuf)]
          + [pltpu.SemaphoreType.DMA for _ in range(nbuf)],
    )
    def k(table_hbm, idx_hbm, out_hbm, idx_v, *bufsems):
        bufs, sems = bufsems[:nbuf], bufsems[nbuf:]
        wid = lax.axis_index("s") * info.num_cores + lax.axis_index("c")
        cbase = wid * n_chunks
        pltpu.sync_copy(idx_hbm.at[pl.ds(cbase, n_chunks)], idx_v)
        for p in range(nbuf):
            pltpu.async_copy(table_hbm.at[idx_v.at[p]], bufs[p], sems[p])

        def step(i, carry):
            for p in range(nbuf):
                c = i * nbuf + p
                pltpu.make_async_copy(table_hbm.at[idx_v.at[c]],
                                      bufs[p], sems[p]).wait()
                pltpu.sync_copy(bufs[p], out_hbm.at[cbase + c])
                nxt = c + nbuf

                @pl.when(nxt < n_chunks)
                def _():
                    pltpu.async_copy(table_hbm.at[idx_v.at[nxt]],
                                     bufs[p], sems[p])
            return carry

        lax.fori_loop(0, n_chunks // nbuf, step, 0)

    out = k(table, idx2)
    return out.reshape(E, D)



def _mlp_body(db, k_nbr, c1, film, tail,
              rows_ref, msk_ref, pd_ref, zone_ref,
              w1_ref, w2_ref, b2_ref, w3_ref, b3_ref,
              fz_ref, fzb_ref, fg_ref, fgb_ref, fb_ref, fbb_ref,
              m31_ref, m31b_ref, m32_ref, m32b_ref, m33_ref, m33b_ref,
              h1_ref, h1b_ref, h2_ref, h2b_ref, h3_ref, h3b_ref,
              out_ref):
    pd = pd_ref[0]
    wd = pd @ w1_ref[-3:, :]
    wd_t = jnp.broadcast_to(wd[:, None, :], (db, k_nbr, c1)).reshape(
        db * k_nbr, c1)
    h1 = jax.nn.relu(rows_ref[0] - wd_t)
    h2 = jax.nn.relu(h1 @ w2_ref[...] + b2_ref[...])
    h3 = (h2 @ w3_ref[...] + b3_ref[...]).reshape(db, k_nbr, -1)
    msk = msk_ref[0][:, :, None]
    h3 = jnp.where(msk > 0, h3, -_INF)
    out = jnp.max(h3, axis=1)
    out = jnp.where(jnp.isfinite(out), out, 0.0)

    if film:
        e = zone_ref[0] @ fz_ref[...] + fzb_ref[...]
        gamma = e @ fg_ref[...] + fgb_ref[...]
        beta = e @ fb_ref[...] + fbb_ref[...]
        out = gamma * out + beta

    if tail:
        cat3 = jnp.concatenate([out, pd], axis=1)
        t1 = jax.nn.relu(cat3 @ m31_ref[...] + m31b_ref[...])
        t2 = jax.nn.relu(t1 @ m32_ref[...] + m32b_ref[...])
        t3 = t2 @ m33_ref[...] + m33b_ref[...]
        g = jnp.max(t3, axis=0, keepdims=True)
        u1 = jax.nn.relu(g @ h1_ref[...] + h1b_ref[...])
        u2 = jax.nn.relu(u1 @ h2_ref[...] + h2b_ref[...])
        out_ref[0] = u2 @ h3_ref[...] + h3b_ref[...]
    else:
        out_ref[0] = out


def _mlp_call(rows, msk, pos_dst, zone_dst, layers, db,
              film_w=None, mlp3=None, head=None):
    B, S, k_nbr = msk.shape
    (w1, b1), (w2, b2), (w3, b3) = layers
    b2, b3 = b2.reshape(1, -1), b3.reshape(1, -1)
    c1 = w1.shape[1]
    c3 = w3.shape[1]
    film = film_w is not None
    tail = mlp3 is not None
    grid = (B, S // db)
    rows3 = rows.reshape(B, S * k_nbr, c1)

    zeros = lambda *shape: (lambda b, j: tuple(0 for _ in shape))
    full = lambda arr: pl.BlockSpec(arr.shape, zeros(*arr.shape))

    if film:
        fz, fzb, fg, fgb, fb, fbb = film_w
        fzb, fgb, fbb = (x.reshape(1, -1) for x in (fzb, fgb, fbb))
    else:
        fz = jnp.zeros((6, 1), jnp.float32); fzb = jnp.zeros((1, 1), jnp.float32)
        fg = jnp.zeros((1, 1), jnp.float32); fgb = jnp.zeros((1, 1), jnp.float32)
        fb = jnp.zeros((1, 1), jnp.float32); fbb = jnp.zeros((1, 1), jnp.float32)
    if tail:
        (m31, m31b), (m32, m32b), (m33, m33b) = mlp3
        (hh1, hh1b), (hh2, hh2b), (hh3, hh3b) = head
        m31b, m32b, m33b = (x.reshape(1, -1) for x in (m31b, m32b, m33b))
        hh1b, hh2b, hh3b = (x.reshape(1, -1) for x in (hh1b, hh2b, hh3b))
        ncls = hh3.shape[1]
        out_shape = jax.ShapeDtypeStruct((B, 1, ncls), jnp.float32)
        out_spec = pl.BlockSpec((1, 1, ncls), lambda b, j: (b, 0, 0))
    else:
        m31 = jnp.zeros((c3 + 3, 1), jnp.float32); m31b = jnp.zeros((1, 1), jnp.float32)
        m32 = jnp.zeros((1, 1), jnp.float32); m32b = jnp.zeros((1, 1), jnp.float32)
        m33 = jnp.zeros((1, 1), jnp.float32); m33b = jnp.zeros((1, 1), jnp.float32)
        hh1 = jnp.zeros((1, 1), jnp.float32); hh1b = jnp.zeros((1, 1), jnp.float32)
        hh2 = jnp.zeros((1, 1), jnp.float32); hh2b = jnp.zeros((1, 1), jnp.float32)
        hh3 = jnp.zeros((1, 1), jnp.float32); hh3b = jnp.zeros((1, 1), jnp.float32)
        out_shape = jax.ShapeDtypeStruct((B, S, c3), jnp.float32)
        out_spec = pl.BlockSpec((1, db, c3), lambda b, j: (b, j, 0))

    if zone_dst is None:
        zone_dst = jnp.zeros((B, S, 6), jnp.float32)

    body = functools.partial(_mlp_body, db, k_nbr, c1, film, tail)
    in_specs = [
        pl.BlockSpec((1, db * k_nbr, c1), lambda b, j: (b, j, 0)),
        pl.BlockSpec((1, db, k_nbr), lambda b, j: (b, j, 0)),
        pl.BlockSpec((1, db, 3), lambda b, j: (b, j, 0)),
        pl.BlockSpec((1, db, 6), lambda b, j: (b, j, 0)),
        full(w1), full(w2), pl.BlockSpec((1, w2.shape[1]), zeros(1, 1)),
        full(w3), pl.BlockSpec((1, w3.shape[1]), zeros(1, 1)),
        full(fz), full(fzb), full(fg), full(fgb), full(fb), full(fbb),
        full(m31), full(m31b), full(m32), full(m32b), full(m33), full(m33b),
        full(hh1), full(hh1b), full(hh2), full(hh2b), full(hh3), full(hh3b),
    ]
    return pl.pallas_call(
        body,
        grid=grid,
        in_specs=in_specs,
        out_specs=out_spec,
        out_shape=out_shape,
        interpret=INTERPRET,
    )(rows3, msk, pos_dst, zone_dst,
      w1, w2, b2, w3, b3,
      fz, fzb, fg, fgb, fb, fbb,
      m31, m31b, m32, m32b, m33, m33b,
      hh1, hh1b, hh2, hh2b, hh3, hh3b)



def _conv(cat_src, pos_srcT, pos_dst, zone_dst, layers, r, db,
          film_w=None, mlp3=None, head=None):
    B, nsrc, _ = cat_src.shape
    S = pos_dst.shape[1]
    k_nbr = 64
    (w1, b1), (w2, b2), (w3, b3) = layers
    c1 = w1.shape[1]
    if c1 % 128:
        padn = 128 - c1 % 128
        w1 = jnp.pad(w1, ((0, 0), (0, padn)))
        b1 = jnp.pad(b1, (0, padn))
        w2 = jnp.pad(w2, ((0, padn), (0, 0)))
        layers = ((w1, b1), (w2, b2), (w3, b3))
    y = _feat_call(cat_src, w1, b1)
    idxg, msk = _topk_call(pos_srcT, pos_dst, r, db, k_nbr)
    rows = _gather_call(y.reshape(B * nsrc, -1), idxg.reshape(-1))
    rows = rows.reshape(B, S, k_nbr, -1)
    return _mlp_call(rows, msk, pos_dst, zone_dst, layers, db,
                     film_w=film_w, mlp3=mlp3, head=head)


def kernel(data, params):
    xyz = data[..., :3]
    zone_idx = data[..., 3].astype(jnp.int32)
    density = data[..., 4:5]
    zone_oh = jax.nn.one_hot(zone_idx, 6, dtype=jnp.float32)
    B, N, _ = xyz.shape
    s1, s2 = N // 2, N // 8

    xyzT = jnp.transpose(xyz, (0, 2, 1))
    feat1 = jnp.concatenate([xyzT, jnp.transpose(zone_oh, (0, 2, 1))], axis=1)
    sel1 = _fps_call(feat1, s1)
    pos1T = sel1[:, 0:3, :]
    pos1 = jnp.transpose(pos1T, (0, 2, 1))
    zone1 = jnp.transpose(sel1[:, 3:9, :], (0, 2, 1))

    cat1 = jnp.concatenate([xyz, density, xyz], axis=-1)
    f = params["film"]
    film_w = (f["Wz"], f["bz"], f["Wg"], f["bg"], f["Wb"], f["bb"])
    x1 = _conv(cat1, xyzT, pos1, zone1, params["mlp1"], 0.2, 128,
               film_w=film_w)

    sel2 = _fps_call(pos1T, s2)
    pos2 = jnp.transpose(sel2, (0, 2, 1))

    cat2 = jnp.concatenate([x1, pos1], axis=-1)
    out = _conv(cat2, pos1T, pos2, None, params["mlp2"], 0.4, s2,
                mlp3=params["mlp3"], head=params["head"])
    return out[:, 0, :]


def _probe(data, params):
    xyz = data[..., :3]
    density = data[..., 4:5]
    zone_oh = jax.nn.one_hot(data[..., 3].astype(jnp.int32), 6, dtype=jnp.float32)
    B, N, _ = xyz.shape
    xyzT = jnp.transpose(xyz, (0, 2, 1))
    feat1 = jnp.concatenate([xyzT, jnp.transpose(zone_oh, (0, 2, 1))], axis=1)
    sel1 = _fps_call(feat1, N // 2)
    pos1 = jnp.transpose(sel1[:, 0:3, :], (0, 2, 1))
    cat1 = jnp.concatenate([xyz, density, xyz], axis=-1)
    w1, b1 = params["mlp1"][0]
    w1 = jnp.pad(w1, ((0, 0), (0, 64)))
    b1 = jnp.pad(b1, (0, 64))
    y = _feat_call(cat1, w1, b1)
    idxg, msk = _topk_call(xyzT, pos1, 0.2, 128, 64)
    acc = jnp.sum(y) + jnp.sum(msk) + jnp.sum(idxg.astype(jnp.float32))
    rows = _gather_call(y.reshape(B * N, -1), idxg.reshape(-1))
    acc = acc + jnp.sum(rows)
    return jnp.zeros((B, 40), jnp.float32) + acc

kernel = _probe

# --- scband reference (transcript-rebuilt; emitter-appended) ---
"""Pipeline reference for scband-point-net-with-fi-lmdensity-57818849738974 (READ-ONLY COPY).

The authoritative reference and input builder live on the scoring server;
editing this copy changes nothing except your own understanding.
"""

import jax, jax.numpy as jnp
import numpy as np

B, N = 8, 1024
ZONE_DIM = 6
NUM_CLASSES = 40
R1, R2 = 0.2, 0.4
MAX_NBR = 64


def _mlp_params(key, dims):
    layers = []
    for i in range(len(dims) - 1):
        key, k1 = jax.random.split(key)
        W = jax.random.normal(k1, (dims[i], dims[i + 1]), jnp.float32) / np.sqrt(dims[i])
        b = jnp.zeros((dims[i + 1],), jnp.float32)
        layers.append((W, b))
    return layers


def _lin_params(key, din, dout):
    W = jax.random.normal(key, (din, dout), jnp.float32) / np.sqrt(din)
    b = jnp.zeros((dout,), jnp.float32)
    return W, b


def setup_inputs(seed: int = 0):
    key = jax.random.key(seed)
    kd, kp = jax.random.split(key)
    data = jax.random.uniform(kd, (B, N, 5), dtype=jnp.float32)
    kz, kg, kb = jax.random.split(jax.random.fold_in(kp, 5), 3)
    Wz, bz = _lin_params(kz, ZONE_DIM, 16)
    Wg, bg = _lin_params(kg, 16, 128)
    Wb, bb = _lin_params(kb, 16, 128)
    params = {
        "mlp1": _mlp_params(jax.random.fold_in(kp, 1), [7, 64, 64, 128]),
        "mlp2": _mlp_params(jax.random.fold_in(kp, 2), [131, 128, 128, 256]),
        "mlp3": _mlp_params(jax.random.fold_in(kp, 3), [259, 256, 512, 1024]),
        "head": _mlp_params(jax.random.fold_in(kp, 4), [1024, 512, 256, NUM_CLASSES]),
        "film": {"Wz": Wz, "bz": bz, "Wg": Wg, "bg": bg, "Wb": Wb, "bb": bb},
    }
    return {"data": data, "params": params}


def _mlp_apply(layers, x):
    n = len(layers)
    for i, (W, b) in enumerate(layers):
        x = x @ W + b
        if i < n - 1:
            x = jax.nn.relu(x)
    return x


def _fps(pos, n_sample):
    # farthest point sampling, deterministic start at index 0
    pos = jax.lax.stop_gradient(pos)
    d0 = jnp.sum((pos - pos[0]) ** 2, axis=-1)

    def step(dists, _):
        nxt = jnp.argmax(dists)
        dnew = jnp.sum((pos - pos[nxt]) ** 2, axis=-1)
        return jnp.minimum(dists, dnew), nxt.astype(jnp.int32)

    _, nxts = jax.lax.scan(step, d0, None, length=n_sample - 1)
    return jnp.concatenate([jnp.zeros((1,), jnp.int32), nxts])


def _radius_conv(x_src, pos_src, pos_dst, r, layers):
    # radius neighborhood (<= 64 nearest within r) + PointNetConv with max aggregation
    d2 = jnp.sum((pos_dst[:, None, :] - pos_src[None, :, :]) ** 2, axis=-1)
    within = d2 <= r * r
    neg = jnp.where(within, -d2, -jnp.inf)
    vals, nbr = jax.lax.top_k(neg, MAX_NBR)
    valid = vals > -jnp.inf
    x_j = x_src[nbr]
    rel = pos_src[nbr] - pos_dst[:, None, :]
    h = _mlp_apply(layers, jnp.concatenate([x_j, rel], axis=-1))
    h = jnp.where(valid[..., None], h, -jnp.inf)
    out = jnp.max(h, axis=1)
    return jnp.where(jnp.isfinite(out), out, 0.0)


def _forward(data, params):
    xyz = data[..., :3]
    zone_idx = data[..., 3].astype(jnp.int32)
    density = data[..., 4:5]
    x0 = jnp.concatenate([xyz, density], axis=-1)
    zone_oh = jax.nn.one_hot(zone_idx, ZONE_DIM, dtype=jnp.float32)
    n = data.shape[1]
    s1 = n // 2
    idx1 = jax.vmap(lambda p: _fps(p, s1))(xyz)
    pos1 = jnp.take_along_axis(xyz, idx1[..., None], axis=1)
    zone1 = jnp.take_along_axis(zone_oh, idx1[..., None], axis=1)
    x1 = jax.vmap(_radius_conv, in_axes=(0, 0, 0, None, None))(x0, xyz, pos1, R1, params["mlp1"])
    f = params["film"]
    e = zone1 @ f["Wz"] + f["bz"]
    gamma = e @ f["Wg"] + f["bg"]
    beta = e @ f["Wb"] + f["bb"]
    x1 = gamma * x1 + beta
    s2 = s1 // 4
    idx2 = jax.vmap(lambda p: _fps(p, s2))(pos1)
    pos2 = jnp.take_along_axis(pos1, idx2[..., None], axis=1)
    x2 = jax.vmap(_radius_conv, in_axes=(0, 0, 0, None, None))(x1, pos1, pos2, R2, params["mlp2"])
    h = _mlp_apply(params["mlp3"], jnp.concatenate([x2, pos2], axis=-1))
    g = jnp.max(h, axis=1)
    return _mlp_apply(params["head"], g)


def reference(data, params):
    return _forward(data, params)

if __name__ == "__main__":
    import jax
    _d = setup_inputs()
    print(jax.jit(kernel)(*tuple(_d.values())))

</pallas_src>

<mosaic_0001>
#map = affine_map<(d0, d1) -> (0, 0)>
#map1 = affine_map<(d0, d1) -> (0, 0, 0)>
module attributes {stable_mosaic.version = 14 : i64} {
  func.func @k(%arg0: i32, %arg1: i32, %arg2: memref<8192x128xf32, #tpu.memory_space<hbm>>, %arg3: memref<2048x128xi32, #tpu.memory_space<hbm>>, %arg4: memref<2048x128x128xf32, #tpu.memory_space<hbm>>, %arg5: memref<64x128xi32, #tpu.memory_space<vmem>>, %arg6: memref<128x128xf32, #tpu.memory_space<vmem>>, %arg7: memref<128x128xf32, #tpu.memory_space<vmem>>, %arg8: memref<128x128xf32, #tpu.memory_space<vmem>>, %arg9: memref<128x128xf32, #tpu.memory_space<vmem>>, %arg10: memref<!tpu.dma_semaphore, #tpu.memory_space<semaphore_mem>>, %arg11: memref<!tpu.dma_semaphore, #tpu.memory_space<semaphore_mem>>, %arg12: memref<!tpu.dma_semaphore, #tpu.memory_space<semaphore_mem>>, %arg13: memref<!tpu.dma_semaphore, #tpu.memory_space<semaphore_mem>>) attributes {dimension_semantics = [#tpu.dimension_semantics<core_parallel>, #tpu.dimension_semantics<subcore_parallel>], iteration_bounds = array<i64: 2, 16>, scalar_prefetch = 0 : i64, scratch_operands = 9 : i64, tpu.core_type = #tpu.core_type<sc_vector_subcore>, window_params = [{transform_indices = #map}, {transform_indices = #map}, {transform_indices = #map1}]} {
    %mul3A = arith.constant 2 : i32
    %mul3A_0 = arith.muli %arg1, %mul3A : i32
    %add3A = arith.addi %mul3A_0, %arg0 : i32
    %mul3A_1 = arith.constant 64 : i32
    %mul3A_2 = arith.muli %add3A, %mul3A_1 : i32
    "tpu.region"() ({
      %run_scoped3A = tpu.sem_alloc : memref<!tpu.dma_semaphore, #tpu.memory_space<semaphore_mem>>
      %dma_start3A_35 = arith.constant 0 : i32
      %dma_start3A_36 = tpu.memref_slice %arg3[%mul3A_2, %dma_start3A_35] : memref<2048x128xi32, #tpu.memory_space<hbm>> -> memref<64x128xi32, #tpu.memory_space<hbm>>
      %dma_start3A_37 = arith.constant 0 : i32
      %dma_start3A_38 = tpu.memref_slice %arg3[%mul3A_2, %dma_start3A_37] : memref<2048x128xi32, #tpu.memory_space<hbm>> -> memref<64x128xi32, #tpu.memory_space<hbm>>
      tpu.enqueue_dma source(%dma_start3A_38 : memref<64x128xi32, #tpu.memory_space<hbm>>) target(%arg5 : memref<64x128xi32, #tpu.memory_space<vmem>>) target_semaphore(%run_scoped3A : memref<!tpu.dma_semaphore, #tpu.memory_space<semaphore_mem>>)
      %dma_wait3A = arith.constant 0 : i32
      %dma_wait3A_39 = tpu.memref_slice %arg3[%mul3A_2, %dma_wait3A] : memref<2048x128xi32, #tpu.memory_space<hbm>> -> memref<64x128xi32, #tpu.memory_space<hbm>>
      %dma_wait3A_40 = arith.constant 0 : i32
      %dma_wait3A_41 = tpu.memref_slice %arg3[%mul3A_2, %dma_wait3A_40] : memref<2048x128xi32, #tpu.memory_space<hbm>> -> memref<64x128xi32, #tpu.memory_space<hbm>>
      tpu.wait_dma2 semaphore(%run_scoped3A : memref<!tpu.dma_semaphore, #tpu.memory_space<semaphore_mem>>) src(%dma_wait3A_41 : memref<64x128xi32, #tpu.memory_space<hbm>>) dst(%arg5 : memref<64x128xi32, #tpu.memory_space<vmem>>)
      tpu.yield
    }) : () -> ()
    %dma_start3A = arith.constant 0 : i32
    %dma_start3A_3 = arith.constant 0 : i32
    %dma_start3A_4 = tpu.memref_slice %arg5[%dma_start3A, %dma_start3A_3] : memref<64x128xi32, #tpu.memory_space<vmem>> -> memref<1x128xi32, #tpu.memory_space<vmem>>
    %dma_start3A_5 = tpu.memref_squeeze %dma_start3A_4 : memref<1x128xi32, #tpu.memory_space<vmem>> -> memref<128xi32, #tpu.memory_space<vmem>>
    %dma_start3A_6 = arith.constant 0 : i32
    %dma_start3A_7 = arith.constant 0 : i32
    %dma_start3A_8 = tpu.memref_slice %arg2[%dma_start3A_6, %dma_start3A_7] : memref<8192x128xf32, #tpu.memory_space<hbm>> -> memref<8192x128xf32, #tpu.memory_space<hbm>>
    tpu.enqueue_indirect_dma source(%dma_start3A_8 : memref<8192x128xf32, #tpu.memory_space<hbm>>) target(%arg6 : memref<128x128xf32, #tpu.memory_space<vmem>>) offsets(%dma_start3A_5 : memref<128xi32, #tpu.memory_space<vmem>>) semaphore(%arg10 : memref<!tpu.dma_semaphore, #tpu.memory_space<semaphore_mem>>)
    %dma_start3A_9 = arith.constant 1 : i32
    %dma_start3A_10 = arith.constant 0 : i32
    %dma_start3A_11 = tpu.memref_slice %arg5[%dma_start3A_9, %dma_start3A_10] : memref<64x128xi32, #tpu.memory_space<vmem>> -> memref<1x128xi32, #tpu.memory_space<vmem>>
    %dma_start3A_12 = tpu.memref_squeeze %dma_start3A_11 : memref<1x128xi32, #tpu.memory_space<vmem>> -> memref<128xi32, #tpu.memory_space<vmem>>
    %dma_start3A_13 = arith.constant 0 : i32
    %dma_start3A_14 = arith.constant 0 : i32
    %dma_start3A_15 = tpu.memref_slice %arg2[%dma_start3A_13, %dma_start3A_14] : memref<8192x128xf32, #tpu.memory_space<hbm>> -> memref<8192x128xf32, #tpu.memory_space<hbm>>
    tpu.enqueue_indirect_dma source(%dma_start3A_15 : memref<8192x128xf32, #tpu.memory_space<hbm>>) target(%arg7 : memref<128x128xf32, #tpu.memory_space<vmem>>) offsets(%dma_start3A_12 : memref<128xi32, #tpu.memory_space<vmem>>) semaphore(%arg11 : memref<!tpu.dma_semaphore, #tpu.memory_space<semaphore_mem>>)
    %dma_start3A_16 = arith.constant 2 : i32
    %dma_start3A_17 = arith.constant 0 : i32
    %dma_start3A_18 = tpu.memref_slice %arg5[%dma_start3A_16, %dma_start3A_17] : memref<64x128xi32, #tpu.memory_space<vmem>> -> memref<1x128xi32, #tpu.memory_space<vmem>>
    %dma_start3A_19 = tpu.memref_squeeze %dma_start3A_18 : memref<1x128xi32, #tpu.memory_space<vmem>> -> memref<128xi32, #tpu.memory_space<vmem>>
    %dma_start3A_20 = arith.constant 0 : i32
    %dma_start3A_21 = arith.constant 0 : i32
    %dma_start3A_22 = tpu.memref_slice %arg2[%dma_start3A_20, %dma_start3A_21] : memref<8192x128xf32, #tpu.memory_space<hbm>> -> memref<8192x128xf32, #tpu.memory_space<hbm>>
    tpu.enqueue_indirect_dma source(%dma_start3A_22 : memref<8192x128xf32, #tpu.memory_space<hbm>>) target(%arg8 : memref<128x128xf32, #tpu.memory_space<vmem>>) offsets(%dma_start3A_19 : memref<128xi32, #tpu.memory_space<vmem>>) semaphore(%arg12 : memref<!tpu.dma_semaphore, #tpu.memory_space<semaphore_mem>>)
    %dma_start3A_23 = arith.constant 3 : i32
    %dma_start3A_24 = arith.constant 0 : i32
    %dma_start3A_25 = tpu.memref_slice %arg5[%dma_start3A_23, %dma_start3A_24] : memref<64x128xi32, #tpu.memory_space<vmem>> -> memref<1x128xi32, #tpu.memory_space<vmem>>
    %dma_start3A_26 = tpu.memref_squeeze %dma_start3A_25 : memref<1x128xi32, #tpu.memory_space<vmem>> -> memref<128xi32, #tpu.memory_space<vmem>>
    %dma_start3A_27 = arith.constant 0 : i32
    %dma_start3A_28 = arith.constant 0 : i32
    %dma_start3A_29 = tpu.memref_slice %arg2[%dma_start3A_27, %dma_start3A_28] : memref<8192x128xf32, #tpu.memory_space<hbm>> -> memref<8192x128xf32, #tpu.memory_space<hbm>>
    tpu.enqueue_indirect_dma source(%dma_start3A_29 : memref<8192x128xf32, #tpu.memory_space<hbm>>) target(%arg9 : memref<128x128xf32, #tpu.memory_space<vmem>>) offsets(%dma_start3A_26 : memref<128xi32, #tpu.memory_space<vmem>>) semaphore(%arg13 : memref<!tpu.dma_semaphore, #tpu.memory_space<semaphore_mem>>)
    %scan3A = arith.constant 0 : i32
    %scan3A_30 = arith.constant 0 : i32
    %scan3A_31 = arith.constant 16 : i32
    %scan3A_32 = arith.addi %scan3A_30, %scan3A_31 : i32
    %scan3A_33 = arith.constant 1 : i32
    scf.for %scan3A_35 = %scan3A_30 to %scan3A_32 step %scan3A_33  : i32 {
      %mul3A_36 = arith.constant 4 : i32
      %mul3A_37 = arith.muli %scan3A_35, %mul3A_36 : i32
      %add3A_38 = arith.constant 0 : i32
      %add3A_39 = arith.addi %mul3A_37, %add3A_38 : i32
      %dma_wait3A = arith.constant 0 : i32
      %dma_wait3A_40 = tpu.memref_slice %arg5[%add3A_39, %dma_wait3A] : memref<64x128xi32, #tpu.memory_space<vmem>> -> memref<1x128xi32, #tpu.memory_space<vmem>>
      %dma_wait3A_41 = tpu.memref_squeeze %dma_wait3A_40 : memref<1x128xi32, #tpu.memory_space<vmem>> -> memref<128xi32, #tpu.memory_space<vmem>>
      %dma_wait3A_42 = arith.constant 0 : i32
      %dma_wait3A_43 = arith.constant 0 : i32
      %dma_wait3A_44 = tpu.memref_slice %arg2[%dma_wait3A_42, %dma_wait3A_43] : memref<8192x128xf32, #tpu.memory_space<hbm>> -> memref<8192x128xf32, #tpu.memory_space<hbm>>
      tpu.wait_indirect_dma semaphore(%arg10 : memref<!tpu.dma_semaphore, #tpu.memory_space<semaphore_mem>>) src(%dma_wait3A_44 : memref<8192x128xf32, #tpu.memory_space<hbm>>) dst(%arg6 : memref<128x128xf32, #tpu.memory_space<vmem>>)
      %add3A_45 = arith.addi %mul3A_2, %add3A_39 : i32
      "tpu.region"() ({
        %run_scoped3A = tpu.sem_alloc : memref<!tpu.dma_semaphore, #tpu.memory_space<semaphore_mem>>
        %dma_start3A_104 = arith.constant 0 : i32
        %dma_start3A_105 = arith.constant 0 : i32
        %dma_start3A_106 = tpu.memref_slice %arg4[%add3A_45, %dma_start3A_104, %dma_start3A_105] : memref<2048x128x128xf32, #tpu.memory_space<hbm>> -> memref<1x128x128xf32, #tpu.memory_space<hbm>>
        %dma_start3A_107 = tpu.memref_squeeze %dma_start3A_106 : memref<1x128x128xf32, #tpu.memory_space<hbm>> -> memref<128x128xf32, #tpu.memory_space<hbm>>
        %dma_start3A_108 = arith.constant 0 : i32
        %dma_start3A_109 = arith.constant 0 : i32
        %dma_start3A_110 = tpu.memref_slice %arg4[%add3A_45, %dma_start3A_108, %dma_start3A_109] : memref<2048x128x128xf32, #tpu.memory_space<hbm>> -> memref<1x128x128xf32, #tpu.memory_space<hbm>>
        %dma_start3A_111 = tpu.memref_squeeze %dma_start3A_110 : memref<1x128x128xf32, #tpu.memory_space<hbm>> -> memref<128x128xf32, #tpu.memory_space<hbm>>
        tpu.enqueue_dma source(%arg6 : memref<128x128xf32, #tpu.memory_space<vmem>>) target(%dma_start3A_111 : memref<128x128xf32, #tpu.memory_space<hbm>>) target_semaphore(%run_scoped3A : memref<!tpu.dma_semaphore, #tpu.memory_space<semaphore_mem>>)
        %dma_wait3A_112 = arith.constant 0 : i32
        %dma_wait3A_113 = arith.constant 0 : i32
        %dma_wait3A_114 = tpu.memref_slice %arg4[%add3A_45, %dma_wait3A_112, %dma_wait3A_113] : memref<2048x128x128xf32, #tpu.memory_space<hbm>> -> memref<1x128x128xf32, #tpu.memory_space<hbm>>
        %dma_wait3A_115 = tpu.memref_squeeze %dma_wait3A_114 : memref<1x128x128xf32, #tpu.memory_space<hbm>> -> memref<128x128xf32, #tpu.memory_space<hbm>>
        %dma_wait3A_116 = arith.constant 0 : i32
        %dma_wait3A_117 = arith.constant 0 : i32
        %dma_wait3A_118 = tpu.memref_slice %arg4[%add3A_45, %dma_wait3A_116, %dma_wait3A_117] : memref<2048x128x128xf32, #tpu.memory_space<hbm>> -> memref<1x128x128xf32, #tpu.memory_space<hbm>>
        %dma_wait3A_119 = tpu.memref_squeeze %dma_wait3A_118 : memref<1x128x128xf32, #tpu.memory_space<hbm>> -> memref<128x128xf32, #tpu.memory_space<hbm>>
        tpu.wait_dma2 semaphore(%run_scoped3A : memref<!tpu.dma_semaphore, #tpu.memory_space<semaphore_mem>>) src(%arg6 : memref<128x128xf32, #tpu.memory_space<vmem>>) dst(%dma_wait3A_119 : memref<128x128xf32, #tpu.memory_space<hbm>>)
        tpu.yield
      }) : () -> ()
      %add3A_46 = arith.constant 4 : i32
      %add3A_47 = arith.addi %add3A_39, %add3A_46 : i32
      %lt3A = arith.constant 64 : i32
      %lt3A_48 = arith.cmpi slt, %add3A_47, %lt3A : i32
      %convert_element_type3A = arith.extui %lt3A_48 : i1 to i32
      %cond3A = arith.constant 0 : i32
      %cond3A_49 = arith.cmpi ne, %convert_element_type3A, %cond3A : i32
      scf.if %cond3A_49 {
        %dma_start3A_104 = arith.constant 0 : i32
        %dma_start3A_105 = tpu.memref_slice %arg5[%add3A_47, %dma_start3A_104] : memref<64x128xi32, #tpu.memory_space<vmem>> -> memref<1x128xi32, #tpu.memory_space<vmem>>
        %dma_start3A_106 = tpu.memref_squeeze %dma_start3A_105 : memref<1x128xi32, #tpu.memory_space<vmem>> -> memref<128xi32, #tpu.memory_space<vmem>>
        %dma_start3A_107 = arith.constant 0 : i32
        %dma_start3A_108 = arith.constant 0 : i32
        %dma_start3A_109 = tpu.memref_slice %arg2[%dma_start3A_107, %dma_start3A_108] : memref<8192x128xf32, #tpu.memory_space<hbm>> -> memref<8192x128xf32, #tpu.memory_space<hbm>>
        tpu.enqueue_indirect_dma source(%dma_start3A_109 : memref<8192x128xf32, #tpu.memory_space<hbm>>) target(%arg6 : memref<128x128xf32, #tpu.memory_space<vmem>>) offsets(%dma_start3A_106 : memref<128xi32, #tpu.memory_space<vmem>>) semaphore(%arg10 : memref<!tpu.dma_semaphore, #tpu.memory_space<semaphore_mem>>)
      } else {
      }
      %mul3A_50 = arith.constant 4 : i32
      %mul3A_51 = arith.muli %scan3A_35, %mul3A_50 : i32
      %add3A_52 = arith.constant 1 : i32
      %add3A_53 = arith.addi %mul3A_51, %add3A_52 : i32
      %dma_wait3A_54 = arith.constant 0 : i32
      %dma_wait3A_55 = tpu.memref_slice %arg5[%add3A_53, %dma_wait3A_54] : memref<64x128xi32, #tpu.memory_space<vmem>> -> memref<1x128xi32, #tpu.memory_space<vmem>>
      %dma_wait3A_56 = tpu.memref_squeeze %dma_wait3A_55 : memref<1x128xi32, #tpu.memory_space<vmem>> -> memref<128xi32, #tpu.memory_space<vmem>>
      %dma_wait3A_57 = arith.constant 0 : i32
      %dma_wait3A_58 = arith.constant 0 : i32
      %dma_wait3A_59 = tpu.memref_slice %arg2[%dma_wait3A_57, %dma_wait3A_58] : memref<8192x128xf32, #tpu.memory_space<hbm>> -> memref<8192x128xf32, #tpu.memory_space<hbm>>
      tpu.wait_indirect_dma semaphore(%arg11 : memref<!tpu.dma_semaphore, #tpu.memory_space<semaphore_mem>>) src(%dma_wait3A_59 : memref<8192x128xf32, #tpu.memory_space<hbm>>) dst(%arg7 : memref<128x128xf32, #tpu.memory_space<vmem>>)
      %add3A_60 = arith.addi %mul3A_2, %add3A_53 : i32
      "tpu.region"() ({
        %run_scoped3A = tpu.sem_alloc : memref<!tpu.dma_semaphore, #tpu.memory_space<semaphore_mem>>
        %dma_start3A_104 = arith.constant 0 : i32
        %dma_start3A_105 = arith.constant 0 : i32
        %dma_start3A_106 = tpu.memref_slice %arg4[%add3A_60, %dma_start3A_104, %dma_start3A_105] : memref<2048x128x128xf32, #tpu.memory_space<hbm>> -> memref<1x128x128xf32, #tpu.memory_space<hbm>>
        %dma_start3A_107 = tpu.memref_squeeze %dma_start3A_106 : memref<1x128x128xf32, #tpu.memory_space<hbm>> -> memref<128x128xf32, #tpu.memory_space<hbm>>
        %dma_start3A_108 = arith.constant 0 : i32
        %dma_start3A_109 = arith.constant 0 : i32
        %dma_start3A_110 = tpu.memref_slice %arg4[%add3A_60, %dma_start3A_108, %dma_start3A_109] : memref<2048x128x128xf32, #tpu.memory_space<hbm>> -> memref<1x128x128xf32, #tpu.memory_space<hbm>>
        %dma_start3A_111 = tpu.memref_squeeze %dma_start3A_110 : memref<1x128x128xf32, #tpu.memory_space<hbm>> -> memref<128x128xf32, #tpu.memory_space<hbm>>
        tpu.enqueue_dma source(%arg7 : memref<128x128xf32, #tpu.memory_space<vmem>>) target(%dma_start3A_111 : memref<128x128xf32, #tpu.memory_space<hbm>>) target_semaphore(%run_scoped3A : memref<!tpu.dma_semaphore, #tpu.memory_space<semaphore_mem>>)
        %dma_wait3A_112 = arith.constant 0 : i32
        %dma_wait3A_113 = arith.constant 0 : i32
        %dma_wait3A_114 = tpu.memref_slice %arg4[%add3A_60, %dma_wait3A_112, %dma_wait3A_113] : memref<2048x128x128xf32, #tpu.memory_space<hbm>> -> memref<1x128x128xf32, #tpu.memory_space<hbm>>
        %dma_wait3A_115 = tpu.memref_squeeze %dma_wait3A_114 : memref<1x128x128xf32, #tpu.memory_space<hbm>> -> memref<128x128xf32, #tpu.memory_space<hbm>>
        %dma_wait3A_116 = arith.constant 0 : i32
        %dma_wait3A_117 = arith.constant 0 : i32
        %dma_wait3A_118 = tpu.memref_slice %arg4[%add3A_60, %dma_wait3A_116, %dma_wait3A_117] : memref<2048x128x128xf32, #tpu.memory_space<hbm>> -> memref<1x128x128xf32, #tpu.memory_space<hbm>>
        %dma_wait3A_119 = tpu.memref_squeeze %dma_wait3A_118 : memref<1x128x128xf32, #tpu.memory_space<hbm>> -> memref<128x128xf32, #tpu.memory_space<hbm>>
        tpu.wait_dma2 semaphore(%run_scoped3A : memref<!tpu.dma_semaphore, #tpu.memory_space<semaphore_mem>>) src(%arg7 : memref<128x128xf32, #tpu.memory_space<vmem>>) dst(%dma_wait3A_119 : memref<128x128xf32, #tpu.memory_space<hbm>>)
        tpu.yield
      }) : () -> ()
      %add3A_61 = arith.constant 4 : i32
      %add3A_62 = arith.addi %add3A_53, %add3A_61 : i32
      %lt3A_63 = arith.constant 64 : i32
      %lt3A_64 = arith.cmpi slt, %add3A_62, %lt3A_63 : i32
      %convert_element_type3A_65 = arith.extui %lt3A_64 : i1 to i32
      %cond3A_66 = arith.constant 0 : i32
      %cond3A_67 = arith.cmpi ne, %convert_element_type3A_65, %cond3A_66 : i32
      scf.if %cond3A_67 {
        %dma_start3A_104 = arith.constant 0 : i32
        %dma_start3A_105 = tpu.memref_slice %arg5[%add3A_62, %dma_start3A_104] : memref<64x128xi32, #tpu.memory_space<vmem>> -> memref<1x128xi32, #tpu.memory_space<vmem>>
        %dma_start3A_106 = tpu.memref_squeeze %dma_start3A_105 : memref<1x128xi32, #tpu.memory_space<vmem>> -> memref<128xi32, #tpu.memory_space<vmem>>
        %dma_start3A_107 = arith.constant 0 : i32
        %dma_start3A_108 = arith.constant 0 : i32
        %dma_start3A_109 = tpu.memref_slice %arg2[%dma_start3A_107, %dma_start3A_108] : memref<8192x128xf32, #tpu.memory_space<hbm>> -> memref<8192x128xf32, #tpu.memory_space<hbm>>
        tpu.enqueue_indirect_dma source(%dma_start3A_109 : memref<8192x128xf32, #tpu.memory_space<hbm>>) target(%arg7 : memref<128x128xf32, #tpu.memory_space<vmem>>) offsets(%dma_start3A_106 : memref<128xi32, #tpu.memory_space<vmem>>) semaphore(%arg11 : memref<!tpu.dma_semaphore, #tpu.memory_space<semaphore_mem>>)
      } else {
      }
      %mul3A_68 = arith.constant 4 : i32
      %mul3A_69 = arith.muli %scan3A_35, %mul3A_68 : i32
      %add3A_70 = arith.constant 2 : i32
      %add3A_71 = arith.addi %mul3A_69, %add3A_70 : i32
      %dma_wait3A_72 = arith.constant 0 : i32
      %dma_wait3A_73 = tpu.memref_slice %arg5[%add3A_71, %dma_wait3A_72] : memref<64x128xi32, #tpu.memory_space<vmem>> -> memref<1x128xi32, #tpu.memory_space<vmem>>
      %dma_wait3A_74 = tpu.memref_squeeze %dma_wait3A_73 : memref<1x128xi32, #tpu.memory_space<vmem>> -> memref<128xi32, #tpu.memory_space<vmem>>
      %dma_wait3A_75 = arith.constant 0 : i32
      %dma_wait3A_76 = arith.constant 0 : i32
      %dma_wait3A_77 = tpu.memref_slice %arg2[%dma_wait3A_75, %dma_wait3A_76] : memref<8192x128xf32, #tpu.memory_space<hbm>> -> memref<8192x128xf32, #tpu.memory_space<hbm>>
      tpu.wait_indirect_dma semaphore(%arg12 : memref<!tpu.dma_semaphore, #tpu.memory_space<semaphore_mem>>) src(%dma_wait3A_77 : memref<8192x128xf32, #tpu.memory_space<hbm>>) dst(%arg8 : memref<128x128xf32, #tpu.memory_space<vmem>>)
      %add3A_78 = arith.addi %mul3A_2, %add3A_71 : i32
      "tpu.region"() ({
        %run_scoped3A = tpu.sem_alloc : memref<!tpu.dma_semaphore, #tpu.memory_space<semaphore_mem>>
        %dma_start3A_104 = arith.constant 0 : i32
        %dma_start3A_105 = arith.constant 0 : i32
        %dma_start3A_106 = tpu.memref_slice %arg4[%add3A_78, %dma_start3A_104, %dma_start3A_105] : memref<2048x128x128xf32, #tpu.memory_space<hbm>> -> memref<1x128x128xf32, #tpu.memory_space<hbm>>
        %dma_start3A_107 = tpu.memref_squeeze %dma_start3A_106 : memref<1x128x128xf32, #tpu.memory_space<hbm>> -> memref<128x128xf32, #tpu.memory_space<hbm>>
        %dma_start3A_108 = arith.constant 0 : i32
        %dma_start3A_109 = arith.constant 0 : i32
        %dma_start3A_110 = tpu.memref_slice %arg4[%add3A_78, %dma_start3A_108, %dma_start3A_109] : memref<2048x128x128xf32, #tpu.memory_space<hbm>> -> memref<1x128x128xf32, #tpu.memory_space<hbm>>
        %dma_start3A_111 = tpu.memref_squeeze %dma_start3A_110 : memref<1x128x128xf32, #tpu.memory_space<hbm>> -> memref<128x128xf32, #tpu.memory_space<hbm>>
        tpu.enqueue_dma source(%arg8 : memref<128x128xf32, #tpu.memory_space<vmem>>) target(%dma_start3A_111 : memref<128x128xf32, #tpu.memory_space<hbm>>) target_semaphore(%run_scoped3A : memref<!tpu.dma_semaphore, #tpu.memory_space<semaphore_mem>>)
        %dma_wait3A_112 = arith.constant 0 : i32
        %dma_wait3A_113 = arith.constant 0 : i32
        %dma_wait3A_114 = tpu.memref_slice %arg4[%add3A_78, %dma_wait3A_112, %dma_wait3A_113] : memref<2048x128x128xf32, #tpu.memory_space<hbm>> -> memref<1x128x128xf32, #tpu.memory_space<hbm>>
        %dma_wait3A_115 = tpu.memref_squeeze %dma_wait3A_114 : memref<1x128x128xf32, #tpu.memory_space<hbm>> -> memref<128x128xf32, #tpu.memory_space<hbm>>
        %dma_wait3A_116 = arith.constant 0 : i32
        %dma_wait3A_117 = arith.constant 0 : i32
        %dma_wait3A_118 = tpu.memref_slice %arg4[%add3A_78, %dma_wait3A_116, %dma_wait3A_117] : memref<2048x128x128xf32, #tpu.memory_space<hbm>> -> memref<1x128x128xf32, #tpu.memory_space<hbm>>
        %dma_wait3A_119 = tpu.memref_squeeze %dma_wait3A_118 : memref<1x128x128xf32, #tpu.memory_space<hbm>> -> memref<128x128xf32, #tpu.memory_space<hbm>>
        tpu.wait_dma2 semaphore(%run_scoped3A : memref<!tpu.dma_semaphore, #tpu.memory_space<semaphore_mem>>) src(%arg8 : memref<128x128xf32, #tpu.memory_space<vmem>>) dst(%dma_wait3A_119 : memref<128x128xf32, #tpu.memory_space<hbm>>)
        tpu.yield
      }) : () -> ()
      %add3A_79 = arith.constant 4 : i32
      %add3A_80 = arith.addi %add3A_71, %add3A_79 : i32
      %lt3A_81 = arith.constant 64 : i32
      %lt3A_82 = arith.cmpi slt, %add3A_80, %lt3A_81 : i32
      %convert_element_type3A_83 = arith.extui %lt3A_82 : i1 to i32
      %cond3A_84 = arith.constant 0 : i32
      %cond3A_85 = arith.cmpi ne, %convert_element_type3A_83, %cond3A_84 : i32
      scf.if %cond3A_85 {
        %dma_start3A_104 = arith.constant 0 : i32
        %dma_start3A_105 = tpu.memref_slice %arg5[%add3A_80, %dma_start3A_104] : memref<64x128xi32, #tpu.memory_space<vmem>> -> memref<1x128xi32, #tpu.memory_space<vmem>>
        %dma_start3A_106 = tpu.memref_squeeze %dma_start3A_105 : memref<1x128xi32, #tpu.memory_space<vmem>> -> memref<128xi32, #tpu.memory_space<vmem>>
        %dma_start3A_107 = arith.constant 0 : i32
        %dma_start3A_108 = arith.constant 0 : i32
        %dma_start3A_109 = tpu.memref_slice %arg2[%dma_start3A_107, %dma_start3A_108] : memref<8192x128xf32, #tpu.memory_space<hbm>> -> memref<8192x128xf32, #tpu.memory_space<hbm>>
        tpu.enqueue_indirect_dma source(%dma_start3A_109 : memref<8192x128xf32, #tpu.memory_space<hbm>>) target(%arg8 : memref<128x128xf32, #tpu.memory_space<vmem>>) offsets(%dma_start3A_106 : memref<128xi32, #tpu.memory_space<vmem>>) semaphore(%arg12 : memref<!tpu.dma_semaphore, #tpu.memory_space<semaphore_mem>>)
      } else {
      }
      %mul3A_86 = arith.constant 4 : i32
      %mul3A_87 = arith.muli %scan3A_35, %mul3A_86 : i32
      %add3A_88 = arith.constant 3 : i32
      %add3A_89 = arith.addi %mul3A_87, %add3A_88 : i32
      %dma_wait3A_90 = arith.constant 0 : i32
      %dma_wait3A_91 = tpu.memref_slice %arg5[%add3A_89, %dma_wait3A_90] : memref<64x128xi32, #tpu.memory_space<vmem>> -> memref<1x128xi32, #tpu.memory_space<vmem>>
      %dma_wait3A_92 = tpu.memref_squeeze %dma_wait3A_91 : memref<1x128xi32, #tpu.memory_space<vmem>> -> memref<128xi32, #tpu.memory_space<vmem>>
      %dma_wait3A_93 = arith.constant 0 : i32
      %dma_wait3A_94 = arith.constant 0 : i32
      %dma_wait3A_95 = tpu.memref_slice %arg2[%dma_wait3A_93, %dma_wait3A_94] : memref<8192x128xf32, #tpu.memory_space<hbm>> -> memref<8192x128xf32, #tpu.memory_space<hbm>>
      tpu.wait_indirect_dma semaphore(%arg13 : memref<!tpu.dma_semaphore, #tpu.memory_space<semaphore_mem>>) src(%dma_wait3A_95 : memref<8192x128xf32, #tpu.memory_space<hbm>>) dst(%arg9 : memref<128x128xf32, #tpu.memory_space<vmem>>)
      %add3A_96 = arith.addi %mul3A_2, %add3A_89 : i32
      "tpu.region"() ({
        %run_scoped3A = tpu.sem_alloc : memref<!tpu.dma_semaphore, #tpu.memory_space<semaphore_mem>>
        %dma_start3A_104 = arith.constant 0 : i32
        %dma_start3A_105 = arith.constant 0 : i32
        %dma_start3A_106 = tpu.memref_slice %arg4[%add3A_96, %dma_start3A_104, %dma_start3A_105] : memref<2048x128x128xf32, #tpu.memory_space<hbm>> -> memref<1x128x128xf32, #tpu.memory_space<hbm>>
        %dma_start3A_107 = tpu.memref_squeeze %dma_start3A_106 : memref<1x128x128xf32, #tpu.memory_space<hbm>> -> memref<128x128xf32, #tpu.memory_space<hbm>>
        %dma_start3A_108 = arith.constant 0 : i32
        %dma_start3A_109 = arith.constant 0 : i32
        %dma_start3A_110 = tpu.memref_slice %arg4[%add3A_96, %dma_start3A_108, %dma_start3A_109] : memref<2048x128x128xf32, #tpu.memory_space<hbm>> -> memref<1x128x128xf32, #tpu.memory_space<hbm>>
        %dma_start3A_111 = tpu.memref_squeeze %dma_start3A_110 : memref<1x128x128xf32, #tpu.memory_space<hbm>> -> memref<128x128xf32, #tpu.memory_space<hbm>>
        tpu.enqueue_dma source(%arg9 : memref<128x128xf32, #tpu.memory_space<vmem>>) target(%dma_start3A_111 : memref<128x128xf32, #tpu.memory_space<hbm>>) target_semaphore(%run_scoped3A : memref<!tpu.dma_semaphore, #tpu.memory_space<semaphore_mem>>)
        %dma_wait3A_112 = arith.constant 0 : i32
        %dma_wait3A_113 = arith.constant 0 : i32
        %dma_wait3A_114 = tpu.memref_slice %arg4[%add3A_96, %dma_wait3A_112, %dma_wait3A_113] : memref<2048x128x128xf32, #tpu.memory_space<hbm>> -> memref<1x128x128xf32, #tpu.memory_space<hbm>>
        %dma_wait3A_115 = tpu.memref_squeeze %dma_wait3A_114 : memref<1x128x128xf32, #tpu.memory_space<hbm>> -> memref<128x128xf32, #tpu.memory_space<hbm>>
        %dma_wait3A_116 = arith.constant 0 : i32
        %dma_wait3A_117 = arith.constant 0 : i32
        %dma_wait3A_118 = tpu.memref_slice %arg4[%add3A_96, %dma_wait3A_116, %dma_wait3A_117] : memref<2048x128x128xf32, #tpu.memory_space<hbm>> -> memref<1x128x128xf32, #tpu.memory_space<hbm>>
        %dma_wait3A_119 = tpu.memref_squeeze %dma_wait3A_118 : memref<1x128x128xf32, #tpu.memory_space<hbm>> -> memref<128x128xf32, #tpu.memory_space<hbm>>
        tpu.wait_dma2 semaphore(%run_scoped3A : memref<!tpu.dma_semaphore, #tpu.memory_space<semaphore_mem>>) src(%arg9 : memref<128x128xf32, #tpu.memory_space<vmem>>) dst(%dma_wait3A_119 : memref<128x128xf32, #tpu.memory_space<hbm>>)
        tpu.yield
      }) : () -> ()
      %add3A_97 = arith.constant 4 : i32
      %add3A_98 = arith.addi %add3A_89, %add3A_97 : i32
      %lt3A_99 = arith.constant 64 : i32
      %lt3A_100 = arith.cmpi slt, %add3A_98, %lt3A_99 : i32
      %convert_element_type3A_101 = arith.extui %lt3A_100 : i1 to i32
      %cond3A_102 = arith.constant 0 : i32
      %cond3A_103 = arith.cmpi ne, %convert_element_type3A_101, %cond3A_102 : i32
      scf.if %cond3A_103 {
        %dma_start3A_104 = arith.constant 0 : i32
        %dma_start3A_105 = tpu.memref_slice %arg5[%add3A_98, %dma_start3A_104] : memref<64x128xi32, #tpu.memory_space<vmem>> -> memref<1x128xi32, #tpu.memory_space<vmem>>
        %dma_start3A_106 = tpu.memref_squeeze %dma_start3A_105 : memref<1x128xi32, #tpu.memory_space<vmem>> -> memref<128xi32, #tpu.memory_space<vmem>>
        %dma_start3A_107 = arith.constant 0 : i32
        %dma_start3A_108 = arith.constant 0 : i32
        %dma_start3A_109 = tpu.memref_slice %arg2[%dma_start3A_107, %dma_start3A_108] : memref<8192x128xf32, #tpu.memory_space<hbm>> -> memref<8192x128xf32, #tpu.memory_space<hbm>>
        tpu.enqueue_indirect_dma source(%dma_start3A_109 : memref<8192x128xf32, #tpu.memory_space<hbm>>) target(%arg9 : memref<128x128xf32, #tpu.memory_space<vmem>>) offsets(%dma_start3A_106 : memref<128xi32, #tpu.memory_space<vmem>>) semaphore(%arg13 : memref<!tpu.dma_semaphore, #tpu.memory_space<semaphore_mem>>)
      } else {
      }
    }
    %scan3A_34 = arith.constant 16 : i32
    return
  }
}

module attributes {stable_mosaic.version = 14 : i64} {
  func.func @_fps_body(%arg0: memref<8x9x1024xf32, #tpu.memory_space<vmem>>, %arg1: memref<8x9x512xf32, #tpu.memory_space<vmem>>, %arg2: memref<8x1024xf32, #tpu.memory_space<vmem>>) attributes {dimension_semantics = [], scalar_prefetch = 0 : i64, scratch_operands = 1 : i64, tpu.core_type = #tpu.core_type<tc>} {
    %get3A = arith.constant 0 : index
    %get3A_0 = arith.constant 0 : index
    %get3A_1 = arith.constant 0 : index
    %get3A_2 = vector.load %arg0[%get3A, %get3A_0, %get3A_1] : memref<8x9x1024xf32, #tpu.memory_space<vmem>>, vector<8x9x1024xf32>
    %slice3A = vector.extract_strided_slice %get3A_2 {offsets = [0, 0, 0], sizes = [8, 3, 1024], strides = [1, 1, 1]} : vector<8x9x1024xf32> to vector<8x3x1024xf32>
    %slice3A_3 = vector.extract_strided_slice %slice3A {offsets = [0, 0, 0], sizes = [8, 3, 1], strides = [1, 1, 1]} : vector<8x3x1024xf32> to vector<8x3x1xf32>
    %sub3A = vector.broadcast %slice3A_3 : vector<8x3x1xf32> to vector<8x3x1024xf32>
    %sub3A_4 = arith.subf %slice3A, %sub3A : vector<8x3x1024xf32>
    %integer_pow3A = arith.mulf %sub3A_4, %sub3A_4 : vector<8x3x1024xf32>
    %reduce_sum3A = arith.constant dense<0.000000e+00> : vector<8x1024xf32>
    %reduce_sum3A_5 = vector.multi_reduction <add>, %integer_pow3A, %reduce_sum3A [1] : vector<8x3x1024xf32> to vector<8x1024xf32>
    %swap3A = arith.constant 0 : index
    %swap3A_6 = arith.constant 0 : index
    %swap3A_7 = vector.load %arg2[%swap3A, %swap3A_6] : memref<8x1024xf32, #tpu.memory_space<vmem>>, vector<8x1024xf32>
    tpu.vector_store %arg2[%swap3A, %swap3A_6], %reduce_sum3A_5 {strides = array<i32>} : memref<8x1024xf32, #tpu.memory_space<vmem>>, vector<8x1024xf32>,
    %iota3A = tpu.iota {dimensions = array<i32: 1>} : vector<8x1024xi32>
    %iota3A_8 = tpu.iota {dimensions = array<i32: 2>} : vector<1x1x128xi32>
    %eq3A = arith.constant 0 : i32
    %eq3A_9 = vector.broadcast %eq3A : i32 to vector<1x1x128xi32>
    %eq3A_10 = arith.cmpi eq, %iota3A_8, %eq3A_9 : vector<1x1x128xi32>
    %slice3A_11 = vector.extract_strided_slice %get3A_2 {offsets = [0, 0, 0], sizes = [8, 9, 1], strides = [1, 1, 1]} : vector<8x9x1024xf32> to vector<8x9x1xf32>
    %jit3A = arith.constant 0.000000e+00 : f32
    %broadcast_in_dim3A = vector.shape_cast %eq3A_10 : vector<1x1x128xi1> to vector<1x1x128xi1>
    %broadcast_in_dim3A_12 = vector.broadcast %broadcast_in_dim3A : vector<1x1x128xi1> to vector<8x9x128xi1>
    %broadcast_in_dim3A_13 = vector.shape_cast %slice3A_11 : vector<8x9x1xf32> to vector<8x9x1xf32>
    %broadcast_in_dim3A_14 = vector.broadcast %broadcast_in_dim3A_13 : vector<8x9x1xf32> to vector<8x9x128xf32>
    %broadcast_in_dim3A_15 = vector.broadcast %jit3A : f32 to vector<8x9x128xf32>
    %select_n3A = arith.select %broadcast_in_dim3A_12, %broadcast_in_dim3A_14, %broadcast_in_dim3A_15 : vector<8x9x128xi1>, vector<8x9x128xf32>
    %scan3A = arith.constant 1 : i32
    %scan3A_16 = arith.constant 127 : i32
    %scan3A_17 = arith.addi %scan3A, %scan3A_16 : i32
    %scan3A_18 = arith.constant 1 : i32
    %scan3A_19 = scf.for %scan3A_61 = %scan3A to %scan3A_17 step %scan3A_18 iter_args(%scan3A_62 = %select_n3A) -> (vector<8x9x128xf32>)  : i32 {
      %get3A_63 = arith.constant 0 : index
      %get3A_64 = arith.constant 0 : index
      %get3A_65 = vector.load %arg2[%get3A_63, %get3A_64] : memref<8x1024xf32, #tpu.memory_space<vmem>>, vector<8x1024xf32>
      %reduce_max3A = arith.constant dense<0xFF800000> : vector<8xf32>
      %reduce_max3A_66 = vector.multi_reduction <maximumf>, %get3A_65, %reduce_max3A [1] : vector<8x1024xf32> to vector<8xf32>
      %broadcast_in_dim3A_67 = vector.shape_cast %reduce_max3A_66 : vector<8xf32> to vector<8x1xf32>
      %eq3A_68 = vector.broadcast %broadcast_in_dim3A_67 : vector<8x1xf32> to vector<8x1024xf32>
      %eq3A_69 = arith.cmpf oeq, %get3A_65, %eq3A_68 : vector<8x1024xf32>
      %jit3A_70 = arith.constant 1024 : i32
      %broadcast_in_dim3A_71 = vector.broadcast %jit3A_70 : i32 to vector<8x1024xi32>
      %select_n3A_72 = arith.select %eq3A_69, %iota3A, %broadcast_in_dim3A_71 : vector<8x1024xi1>, vector<8x1024xi32>
      %reduce_min3A = arith.constant dense<2147483647> : vector<8xi32>
      %reduce_min3A_73 = vector.multi_reduction <minsi>, %select_n3A_72, %reduce_min3A [1] : vector<8x1024xi32> to vector<8xi32>
      %broadcast_in_dim3A_74 = vector.shape_cast %reduce_min3A_73 : vector<8xi32> to vector<8x1xi32>
      %eq3A_75 = vector.broadcast %broadcast_in_dim3A_74 : vector<8x1xi32> to vector<8x1024xi32>
      %eq3A_76 = arith.cmpi eq, %iota3A, %eq3A_75 : vector<8x1024xi32>
      %convert_element_type3A = arith.extui %eq3A_76 : vector<8x1024xi1> to vector<8x1024xi32>
      %convert_element_type3A_77 = arith.sitofp %convert_element_type3A : vector<8x1024xi32> to vector<8x1024xf32>
      %broadcast_in_dim3A_78 = vector.shape_cast %convert_element_type3A_77 : vector<8x1024xf32> to vector<8x1x1024xf32>
      %mul3A = vector.broadcast %broadcast_in_dim3A_78 : vector<8x1x1024xf32> to vector<8x9x1024xf32>
      %mul3A_79 = arith.mulf %get3A_2, %mul3A : vector<8x9x1024xf32>
      %reduce_sum3A_80 = arith.constant dense<0.000000e+00> : vector<8x9xf32>
      %reduce_sum3A_81 = vector.multi_reduction <add>, %mul3A_79, %reduce_sum3A_80 [2] : vector<8x9x1024xf32> to vector<8x9xf32>
      %broadcast_in_dim3A_82 = vector.shape_cast %reduce_sum3A_81 : vector<8x9xf32> to vector<8x9x1xf32>
      %jit3A_83 = arith.constant 128 : i32
      %eq3A_84 = arith.constant 0 : i32
      %eq3A_85 = arith.cmpi eq, %jit3A_83, %eq3A_84 : i32
      %jit3A_86 = arith.constant 1 : i32
      %select_n3A_87 = arith.select %eq3A_85, %jit3A_86, %jit3A_83 : i32
      %rem3A = arith.remsi %scan3A_61, %select_n3A_87 : i32
      %ne3A = arith.constant 0 : i32
      %ne3A_88 = arith.cmpi ne, %rem3A, %ne3A : i32
      %lt3A = arith.constant 0 : i32
      %lt3A_89 = arith.cmpi slt, %rem3A, %lt3A : i32
      %lt3A_90 = arith.constant 0 : i32
      %lt3A_91 = arith.cmpi slt, %select_n3A_87, %lt3A_90 : i32
      %ne3A_92 = arith.xori %lt3A_89, %lt3A_91 : i1
      %and3A = arith.andi %ne3A_92, %ne3A_88 : i1
      %add3A = arith.addi %rem3A, %select_n3A_87 : i32
      %select_n3A_93 = arith.select %and3A, %add3A, %rem3A : i32
      %eq3A_94 = vector.broadcast %select_n3A_93 : i32 to vector<1x1x128xi32>
      %eq3A_95 = arith.cmpi eq, %iota3A_8, %eq3A_94 : vector<1x1x128xi32>
      %broadcast_in_dim3A_96 = vector.shape_cast %eq3A_95 : vector<1x1x128xi1> to vector<1x1x128xi1>
      %broadcast_in_dim3A_97 = vector.broadcast %broadcast_in_dim3A_96 : vector<1x1x128xi1> to vector<8x9x128xi1>
      %broadcast_in_dim3A_98 = vector.shape_cast %broadcast_in_dim3A_82 : vector<8x9x1xf32> to vector<8x9x1xf32>
      %broadcast_in_dim3A_99 = vector.broadcast %broadcast_in_dim3A_98 : vector<8x9x1xf32> to vector<8x9x128xf32>
      %select_n3A_100 = arith.select %broadcast_in_dim3A_97, %broadcast_in_dim3A_99, %scan3A_62 : vector<8x9x128xi1>, vector<8x9x128xf32>
      %slice3A_101 = vector.extract_strided_slice %broadcast_in_dim3A_82 {offsets = [0, 0, 0], sizes = [8, 3, 1], strides = [1, 1, 1]} : vector<8x9x1xf32> to vector<8x3x1xf32>
      %sub3A_102 = vector.broadcast %slice3A_101 : vector<8x3x1xf32> to vector<8x3x1024xf32>
      %sub3A_103 = arith.subf %slice3A, %sub3A_102 : vector<8x3x1024xf32>
      %integer_pow3A_104 = arith.mulf %sub3A_103, %sub3A_103 : vector<8x3x1024xf32>
      %reduce_sum3A_105 = arith.constant dense<0.000000e+00> : vector<8x1024xf32>
      %reduce_sum3A_106 = vector.multi_reduction <add>, %integer_pow3A_104, %reduce_sum3A_105 [1] : vector<8x3x1024xf32> to vector<8x1024xf32>
      %min3A = arith.minimumf %get3A_65, %reduce_sum3A_106 : vector<8x1024xf32>
      %swap3A_107 = arith.constant 0 : index
      %swap3A_108 = arith.constant 0 : index
      %swap3A_109 = vector.load %arg2[%swap3A_107, %swap3A_108] : memref<8x1024xf32, #tpu.memory_space<vmem>>, vector<8x1024xf32>
      tpu.vector_store %arg2[%swap3A_107, %swap3A_108], %min3A {strides = array<i32>} : memref<8x1024xf32, #tpu.memory_space<vmem>>, vector<8x1024xf32>,
      scf.yield %select_n3A_100 : vector<8x9x128xf32>
    }
    %scan3A_20 = arith.constant 127 : i32
    %swap3A_21 = arith.constant 0 : index
    %swap3A_22 = arith.constant 0 : index
    %swap3A_23 = arith.constant 0 : index
    %swap3A_24 = vector.load %arg1[%swap3A_21, %swap3A_22, %swap3A_23] : memref<8x9x512xf32, #tpu.memory_space<vmem>>, vector<8x9x128xf32>
    tpu.vector_store %arg1[%swap3A_21, %swap3A_22, %swap3A_23], %scan3A_19 {strides = array<i32>} : memref<8x9x512xf32, #tpu.memory_space<vmem>>, vector<8x9x128xf32>,
    %broadcast_in_dim3A_25 = arith.constant 0.000000e+00 : f32
    %broadcast_in_dim3A_26 = vector.broadcast %broadcast_in_dim3A_25 : f32 to vector<8x9x128xf32>
    %scan3A_27 = arith.constant 128 : i32
    %scan3A_28 = arith.constant 128 : i32
    %scan3A_29 = arith.addi %scan3A_27, %scan3A_28 : i32
    %scan3A_30 = arith.constant 1 : i32
    %scan3A_31 = scf.for %scan3A_61 = %scan3A_27 to %scan3A_29 step %scan3A_30 iter_args(%scan3A_62 = %broadcast_in_dim3A_26) -> (vector<8x9x128xf32>)  : i32 {
      %get3A_63 = arith.constant 0 : index
      %get3A_64 = arith.constant 0 : index
      %get3A_65 = vector.load %arg2[%get3A_63, %get3A_64] : memref<8x1024xf32, #tpu.memory_space<vmem>>, vector<8x1024xf32>
      %reduce_max3A = arith.constant dense<0xFF800000> : vector<8xf32>
      %reduce_max3A_66 = vector.multi_reduction <maximumf>, %get3A_65, %reduce_max3A [1] : vector<8x1024xf32> to vector<8xf32>
      %broadcast_in_dim3A_67 = vector.shape_cast %reduce_max3A_66 : vector<8xf32> to vector<8x1xf32>
      %eq3A_68 = vector.broadcast %broadcast_in_dim3A_67 : vector<8x1xf32> to vector<8x1024xf32>
      %eq3A_69 = arith.cmpf oeq, %get3A_65, %eq3A_68 : vector<8x1024xf32>
      %jit3A_70 = arith.constant 1024 : i32
      %broadcast_in_dim3A_71 = vector.broadcast %jit3A_70 : i32 to vector<8x1024xi32>
      %select_n3A_72 = arith.select %eq3A_69, %iota3A, %broadcast_in_dim3A_71 : vector<8x1024xi1>, vector<8x1024xi32>
      %reduce_min3A = arith.constant dense<2147483647> : vector<8xi32>
      %reduce_min3A_73 = vector.multi_reduction <minsi>, %select_n3A_72, %reduce_min3A [1] : vector<8x1024xi32> to vector<8xi32>
      %broadcast_in_dim3A_74 = vector.shape_cast %reduce_min3A_73 : vector<8xi32> to vector<8x1xi32>
      %eq3A_75 = vector.broadcast %broadcast_in_dim3A_74 : vector<8x1xi32> to vector<8x1024xi32>
      %eq3A_76 = arith.cmpi eq, %iota3A, %eq3A_75 : vector<8x1024xi32>
      %convert_element_type3A = arith.extui %eq3A_76 : vector<8x1024xi1> to vector<8x1024xi32>
      %convert_element_type3A_77 = arith.sitofp %convert_element_type3A : vector<8x1024xi32> to vector<8x1024xf32>
      %broadcast_in_dim3A_78 = vector.shape_cast %convert_element_type3A_77 : vector<8x1024xf32> to vector<8x1x1024xf32>
      %mul3A = vector.broadcast %broadcast_in_dim3A_78 : vector<8x1x1024xf32> to vector<8x9x1024xf32>
      %mul3A_79 = arith.mulf %get3A_2, %mul3A : vector<8x9x1024xf32>
      %reduce_sum3A_80 = arith.constant dense<0.000000e+00> : vector<8x9xf32>
      %reduce_sum3A_81 = vector.multi_reduction <add>, %mul3A_79, %reduce_sum3A_80 [2] : vector<8x9x1024xf32> to vector<8x9xf32>
      %broadcast_in_dim3A_82 = vector.shape_cast %reduce_sum3A_81 : vector<8x9xf32> to vector<8x9x1xf32>
      %jit3A_83 = arith.constant 128 : i32
      %eq3A_84 = arith.constant 0 : i32
      %eq3A_85 = arith.cmpi eq, %jit3A_83, %eq3A_84 : i32
      %jit3A_86 = arith.constant 1 : i32
      %select_n3A_87 = arith.select %eq3A_85, %jit3A_86, %jit3A_83 : i32
      %rem3A = arith.remsi %scan3A_61, %select_n3A_87 : i32
      %ne3A = arith.constant 0 : i32
      %ne3A_88 = arith.cmpi ne, %rem3A, %ne3A : i32
      %lt3A = arith.constant 0 : i32
      %lt3A_89 = arith.cmpi slt, %rem3A, %lt3A : i32
      %lt3A_90 = arith.constant 0 : i32
      %lt3A_91 = arith.cmpi slt, %select_n3A_87, %lt3A_90 : i32
      %ne3A_92 = arith.xori %lt3A_89, %lt3A_91 : i1
      %and3A = arith.andi %ne3A_92, %ne3A_88 : i1
      %add3A = arith.addi %rem3A, %select_n3A_87 : i32
      %select_n3A_93 = arith.select %and3A, %add3A, %rem3A : i32
      %eq3A_94 = vector.broadcast %select_n3A_93 : i32 to vector<1x1x128xi32>
      %eq3A_95 = arith.cmpi eq, %iota3A_8, %eq3A_94 : vector<1x1x128xi32>
      %broadcast_in_dim3A_96 = vector.shape_cast %eq3A_95 : vector<1x1x128xi1> to vector<1x1x128xi1>
      %broadcast_in_dim3A_97 = vector.broadcast %broadcast_in_dim3A_96 : vector<1x1x128xi1> to vector<8x9x128xi1>
      %broadcast_in_dim3A_98 = vector.shape_cast %broadcast_in_dim3A_82 : vector<8x9x1xf32> to vector<8x9x1xf32>
      %broadcast_in_dim3A_99 = vector.broadcast %broadcast_in_dim3A_98 : vector<8x9x1xf32> to vector<8x9x128xf32>
      %select_n3A_100 = arith.select %broadcast_in_dim3A_97, %broadcast_in_dim3A_99, %scan3A_62 : vector<8x9x128xi1>, vector<8x9x128xf32>
      %slice3A_101 = vector.extract_strided_slice %broadcast_in_dim3A_82 {offsets = [0, 0, 0], sizes = [8, 3, 1], strides = [1, 1, 1]} : vector<8x9x1xf32> to vector<8x3x1xf32>
      %sub3A_102 = vector.broadcast %slice3A_101 : vector<8x3x1xf32> to vector<8x3x1024xf32>
      %sub3A_103 = arith.subf %slice3A, %sub3A_102 : vector<8x3x1024xf32>
      %integer_pow3A_104 = arith.mulf %sub3A_103, %sub3A_103 : vector<8x3x1024xf32>
      %reduce_sum3A_105 = arith.constant dense<0.000000e+00> : vector<8x1024xf32>
      %reduce_sum3A_106 = vector.multi_reduction <add>, %integer_pow3A_104, %reduce_sum3A_105 [1] : vector<8x3x1024xf32> to vector<8x1024xf32>
      %min3A = arith.minimumf %get3A_65, %reduce_sum3A_106 : vector<8x1024xf32>
      %swap3A_107 = arith.constant 0 : index
      %swap3A_108 = arith.constant 0 : index
      %swap3A_109 = vector.load %arg2[%swap3A_107, %swap3A_108] : memref<8x1024xf32, #tpu.memory_space<vmem>>, vector<8x1024xf32>
      tpu.vector_store %arg2[%swap3A_107, %swap3A_108], %min3A {strides = array<i32>} : memref<8x1024xf32, #tpu.memory_space<vmem>>, vector<8x1024xf32>,
      scf.yield %select_n3A_100 : vector<8x9x128xf32>
    }
    %scan3A_32 = arith.constant 128 : i32
    %swap3A_33 = arith.constant 0 : index
    %swap3A_34 = arith.constant 0 : index
    %swap3A_35 = arith.constant 128 : index
    %swap3A_36 = vector.load %arg1[%swap3A_33, %swap3A_34, %swap3A_35] : memref<8x9x512xf32, #tpu.memory_space<vmem>>, vector<8x9x128xf32>
    tpu.vector_store %arg1[%swap3A_33, %swap3A_34, %swap3A_35], %scan3A_31 {strides = array<i32>} : memref<8x9x512xf32, #tpu.memory_space<vmem>>, vector<8x9x128xf32>,
    %broadcast_in_dim3A_37 = arith.constant 0.000000e+00 : f32
    %broadcast_in_dim3A_38 = vector.broadcast %broadcast_in_dim3A_37 : f32 to vector<8x9x128xf32>
    %scan3A_39 = arith.constant 256 : i32
    %scan3A_40 = arith.constant 128 : i32
    %scan3A_41 = arith.addi %scan3A_39, %scan3A_40 : i32
    %scan3A_42 = arith.constant 1 : i32
    %scan3A_43 = scf.for %scan3A_61 = %scan3A_39 to %scan3A_41 step %scan3A_42 iter_args(%scan3A_62 = %broadcast_in_dim3A_38) -> (vector<8x9x128xf32>)  : i32 {
      %get3A_63 = arith.constant 0 : index
      %get3A_64 = arith.constant 0 : index
      %get3A_65 = vector.load %arg2[%get3A_63, %get3A_64] : memref<8x1024xf32, #tpu.memory_space<vmem>>, vector<8x1024xf32>
      %reduce_max3A = arith.constant dense<0xFF800000> : vector<8xf32>
      %reduce_max3A_66 = vector.multi_reduction <maximumf>, %get3A_65, %reduce_max3A [1] : vector<8x1024xf32> to vector<8xf32>
      %broadcast_in_dim3A_67 = vector.shape_cast %reduce_max3A_66 : vector<8xf32> to vector<8x1xf32>
      %eq3A_68 = vector.broadcast %broadcast_in_dim3A_67 : vector<8x1xf32> to vector<8x1024xf32>
      %eq3A_69 = arith.cmpf oeq, %get3A_65, %eq3A_68 : vector<8x1024xf32>
      %jit3A_70 = arith.constant 1024 : i32
      %broadcast_in_dim3A_71 = vector.broadcast %jit3A_70 : i32 to vector<8x1024xi32>
      %select_n3A_72 = arith.select %eq3A_69, %iota3A, %broadcast_in_dim3A_71 : vector<8x1024xi1>, vector<8x1024xi32>
      %reduce_min3A = arith.constant dense<2147483647> : vector<8xi32>
      %reduce_min3A_73 = vector.multi_reduction <minsi>, %select_n3A_72, %reduce_min3A [1] : vector<8x1024xi32> to vector<8xi32>
      %broadcast_in_dim3A_74 = vector.shape_cast %reduce_min3A_73 : vector<8xi32> to vector<8x1xi32>
      %eq3A_75 = vector.broadcast %broadcast_in_dim3A_74 : vector<8x1xi32> to vector<8x1024xi32>
      %eq3A_76 = arith.cmpi eq, %iota3A, %eq3A_75 : vector<8x1024xi32>
      %convert_element_type3A = arith.extui %eq3A_76 : vector<8x1024xi1> to vector<8x1024xi32>
      %convert_element_type3A_77 = arith.sitofp %convert_element_type3A : vector<8x1024xi32> to vector<8x1024xf32>
      %broadcast_in_dim3A_78 = vector.shape_cast %convert_element_type3A_77 : vector<8x1024xf32> to vector<8x1x1024xf32>
      %mul3A = vector.broadcast %broadcast_in_dim3A_78 : vector<8x1x1024xf32> to vector<8x9x1024xf32>
      %mul3A_79 = arith.mulf %get3A_2, %mul3A : vector<8x9x1024xf32>
      %reduce_sum3A_80 = arith.constant dense<0.000000e+00> : vector<8x9xf32>
      %reduce_sum3A_81 = vector.multi_reduction <add>, %mul3A_79, %reduce_sum3A_80 [2] : vector<8x9x1024xf32> to vector<8x9xf32>
      %broadcast_in_dim3A_82 = vector.shape_cast %reduce_sum3A_81 : vector<8x9xf32> to vector<8x9x1xf32>
      %jit3A_83 = arith.constant 128 : i32
      %eq3A_84 = arith.constant 0 : i32
      %eq3A_85 = arith.cmpi eq, %jit3A_83, %eq3A_84 : i32
      %jit3A_86 = arith.constant 1 : i32
      %select_n3A_87 = arith.select %eq3A_85, %jit3A_86, %jit3A_83 : i32
      %rem3A = arith.remsi %scan3A_61, %select_n3A_87 : i32
      %ne3A = arith.constant 0 : i32
      %ne3A_88 = arith.cmpi ne, %rem3A, %ne3A : i32
      %lt3A = arith.constant 0 : i32
      %lt3A_89 = arith.cmpi slt, %rem3A, %lt3A : i32
      %lt3A_90 = arith.constant 0 : i32
      %lt3A_91 = arith.cmpi slt, %select_n3A_87, %lt3A_90 : i32
      %ne3A_92 = arith.xori %lt3A_89, %lt3A_91 : i1
      %and3A = arith.andi %ne3A_92, %ne3A_88 : i1
      %add3A = arith.addi %rem3A, %select_n3A_87 : i32
      %select_n3A_93 = arith.select %and3A, %add3A, %rem3A : i32
      %eq3A_94 = vector.broadcast %select_n3A_93 : i32 to vector<1x1x128xi32>
      %eq3A_95 = arith.cmpi eq, %iota3A_8, %eq3A_94 : vector<1x1x128xi32>
      %broadcast_in_dim3A_96 = vector.shape_cast %eq3A_95 : vector<1x1x128xi1> to vector<1x1x128xi1>
      %broadcast_in_dim3A_97 = vector.broadcast %broadcast_in_dim3A_96 : vector<1x1x128xi1> to vector<8x9x128xi1>
      %broadcast_in_dim3A_98 = vector.shape_cast %broadcast_in_dim3A_82 : vector<8x9x1xf32> to vector<8x9x1xf32>
      %broadcast_in_dim3A_99 = vector.broadcast %broadcast_in_dim3A_98 : vector<8x9x1xf32> to vector<8x9x128xf32>
      %select_n3A_100 = arith.select %broadcast_in_dim3A_97, %broadcast_in_dim3A_99, %scan3A_62 : vector<8x9x128xi1>, vector<8x9x128xf32>
      %slice3A_101 = vector.extract_strided_slice %broadcast_in_dim3A_82 {offsets = [0, 0, 0], sizes = [8, 3, 1], strides = [1, 1, 1]} : vector<8x9x1xf32> to vector<8x3x1xf32>
      %sub3A_102 = vector.broadcast %slice3A_101 : vector<8x3x1xf32> to vector<8x3x1024xf32>
      %sub3A_103 = arith.subf %slice3A, %sub3A_102 : vector<8x3x1024xf32>
      %integer_pow3A_104 = arith.mulf %sub3A_103, %sub3A_103 : vector<8x3x1024xf32>
      %reduce_sum3A_105 = arith.constant dense<0.000000e+00> : vector<8x1024xf32>
      %reduce_sum3A_106 = vector.multi_reduction <add>, %integer_pow3A_104, %reduce_sum3A_105 [1] : vector<8x3x1024xf32> to vector<8x1024xf32>
      %min3A = arith.minimumf %get3A_65, %reduce_sum3A_106 : vector<8x1024xf32>
      %swap3A_107 = arith.constant 0 : index
      %swap3A_108 = arith.constant 0 : index
      %swap3A_109 = vector.load %arg2[%swap3A_107, %swap3A_108] : memref<8x1024xf32, #tpu.memory_space<vmem>>, vector<8x1024xf32>
      tpu.vector_store %arg2[%swap3A_107, %swap3A_108], %min3A {strides = array<i32>} : memref<8x1024xf32, #tpu.memory_space<vmem>>, vector<8x1024xf32>,
      scf.yield %select_n3A_100 : vector<8x9x128xf32>
    }
    %scan3A_44 = arith.constant 128 : i32
    %swap3A_45 = arith.constant 0 : index
    %swap3A_46 = arith.constant 0 : index
    %swap3A_47 = arith.constant 256 : index
    %swap3A_48 = vector.load %arg1[%swap3A_45, %swap3A_46, %swap3A_47] : memref<8x9x512xf32, #tpu.memory_space<vmem>>, vector<8x9x128xf32>
    tpu.vector_store %arg1[%swap3A_45, %swap3A_46, %swap3A_47], %scan3A_43 {strides = array<i32>} : memref<8x9x512xf32, #tpu.memory_space<vmem>>, vector<8x9x128xf32>,
    %broadcast_in_dim3A_49 = arith.constant 0.000000e+00 : f32
    %broadcast_in_dim3A_50 = vector.broadcast %broadcast_in_dim3A_49 : f32 to vector<8x9x128xf32>
    %scan3A_51 = arith.constant 384 : i32
    %scan3A_52 = arith.constant 128 : i32
    %scan3A_53 = arith.addi %scan3A_51, %scan3A_52 : i32
    %scan3A_54 = arith.constant 1 : i32
    %scan3A_55 = scf.for %scan3A_61 = %scan3A_51 to %scan3A_53 step %scan3A_54 iter_args(%scan3A_62 = %broadcast_in_dim3A_50) -> (vector<8x9x128xf32>)  : i32 {
      %get3A_63 = arith.constant 0 : index
      %get3A_64 = arith.constant 0 : index
      %get3A_65 = vector.load %arg2[%get3A_63, %get3A_64] : memref<8x1024xf32, #tpu.memory_space<vmem>>, vector<8x1024xf32>
      %reduce_max3A = arith.constant dense<0xFF800000> : vector<8xf32>
      %reduce_max3A_66 = vector.multi_reduction <maximumf>, %get3A_65, %reduce_max3A [1] : vector<8x1024xf32> to vector<8xf32>
      %broadcast_in_dim3A_67 = vector.shape_cast %reduce_max3A_66 : vector<8xf32> to vector<8x1xf32>
      %eq3A_68 = vector.broadcast %broadcast_in_dim3A_67 : vector<8x1xf32> to vector<8x1024xf32>
      %eq3A_69 = arith.cmpf oeq, %get3A_65, %eq3A_68 : vector<8x1024xf32>
      %jit3A_70 = arith.constant 1024 : i32
      %broadcast_in_dim3A_71 = vector.broadcast %jit3A_70 : i32 to vector<8x1024xi32>
      %select_n3A_72 = arith.select %eq3A_69, %iota3A, %broadcast_in_dim3A_71 : vector<8x1024xi1>, vector<8x1024xi32>
      %reduce_min3A = arith.constant dense<2147483647> : vector<8xi32>
      %reduce_min3A_73 = vector.multi_reduction <minsi>, %select_n3A_72, %reduce_min3A [1] : vector<8x1024xi32> to vector<8xi32>
      %broadcast_in_dim3A_74 = vector.shape_cast %reduce_min3A_73 : vector<8xi32> to vector<8x1xi32>
      %eq3A_75 = vector.broadcast %broadcast_in_dim3A_74 : vector<8x1xi32> to vector<8x1024xi32>
      %eq3A_76 = arith.cmpi eq, %iota3A, %eq3A_75 : vector<8x1024xi32>
      %convert_element_type3A = arith.extui %eq3A_76 : vector<8x1024xi1> to vector<8x1024xi32>
      %convert_element_type3A_77 = arith.sitofp %convert_element_type3A : vector<8x1024xi32> to vector<8x1024xf32>
      %broadcast_in_dim3A_78 = vector.shape_cast %convert_element_type3A_77 : vector<8x1024xf32> to vector<8x1x1024xf32>
      %mul3A = vector.broadcast %broadcast_in_dim3A_78 : vector<8x1x1024xf32> to vector<8x9x1024xf32>
      %mul3A_79 = arith.mulf %get3A_2, %mul3A : vector<8x9x1024xf32>
      %reduce_sum3A_80 = arith.constant dense<0.000000e+00> : vector<8x9xf32>
      %reduce_sum3A_81 = vector.multi_reduction <add>, %mul3A_79, %reduce_sum3A_80 [2] : vector<8x9x1024xf32> to vector<8x9xf32>
      %broadcast_in_dim3A_82 = vector.shape_cast %reduce_sum3A_81 : vector<8x9xf32> to vector<8x9x1xf32>
      %jit3A_83 = arith.constant 128 : i32
      %eq3A_84 = arith.constant 0 : i32
      %eq3A_85 = arith.cmpi eq, %jit3A_83, %eq3A_84 : i32
      %jit3A_86 = arith.constant 1 : i32
      %select_n3A_87 = arith.select %eq3A_85, %jit3A_86, %jit3A_83 : i32
      %rem3A = arith.remsi %scan3A_61, %select_n3A_87 : i32
      %ne3A = arith.constant 0 : i32
      %ne3A_88 = arith.cmpi ne, %rem3A, %ne3A : i32
      %lt3A = arith.constant 0 : i32
      %lt3A_89 = arith.cmpi slt, %rem3A, %lt3A : i32
      %lt3A_90 = arith.constant 0 : i32
      %lt3A_91 = arith.cmpi slt, %select_n3A_87, %lt3A_90 : i32
      %ne3A_92 = arith.xori %lt3A_89, %lt3A_91 : i1
      %and3A = arith.andi %ne3A_92, %ne3A_88 : i1
      %add3A = arith.addi %rem3A, %select_n3A_87 : i32
      %select_n3A_93 = arith.select %and3A, %add3A, %rem3A : i32
      %eq3A_94 = vector.broadcast %select_n3A_93 : i32 to vector<1x1x128xi32>
      %eq3A_95 = arith.cmpi eq, %iota3A_8, %eq3A_94 : vector<1x1x128xi32>
      %broadcast_in_dim3A_96 = vector.shape_cast %eq3A_95 : vector<1x1x128xi1> to vector<1x1x128xi1>
      %broadcast_in_dim3A_97 = vector.broadcast %broadcast_in_dim3A_96 : vector<1x1x128xi1> to vector<8x9x128xi1>
      %broadcast_in_dim3A_98 = vector.shape_cast %broadcast_in_dim3A_82 : vector<8x9x1xf32> to vector<8x9x1xf32>
      %broadcast_in_dim3A_99 = vector.broadcast %broadcast_in_dim3A_98 : vector<8x9x1xf32> to vector<8x9x128xf32>
      %select_n3A_100 = arith.select %broadcast_in_dim3A_97, %broadcast_in_dim3A_99, %scan3A_62 : vector<8x9x128xi1>, vector<8x9x128xf32>
      %slice3A_101 = vector.extract_strided_slice %broadcast_in_dim3A_82 {offsets = [0, 0, 0], sizes = [8, 3, 1], strides = [1, 1, 1]} : vector<8x9x1xf32> to vector<8x3x1xf32>
      %sub3A_102 = vector.broadcast %slice3A_101 : vector<8x3x1xf32> to vector<8x3x1024xf32>
      %sub3A_103 = arith.subf %slice3A, %sub3A_102 : vector<8x3x1024xf32>
      %integer_pow3A_104 = arith.mulf %sub3A_103, %sub3A_103 : vector<8x3x1024xf32>
      %reduce_sum3A_105 = arith.constant dense<0.000000e+00> : vector<8x1024xf32>
      %reduce_sum3A_106 = vector.multi_reduction <add>, %integer_pow3A_104, %reduce_sum3A_105 [1] : vector<8x3x1024xf32> to vector<8x1024xf32>
      %min3A = arith.minimumf %get3A_65, %reduce_sum3A_106 : vector<8x1024xf32>
      %swap3A_107 = arith.constant 0 : index
      %swap3A_108 = arith.constant 0 : index
      %swap3A_109 = vector.load %arg2[%swap3A_107, %swap3A_108] : memref<8x1024xf32, #tpu.memory_space<vmem>>, vector<8x1024xf32>
      tpu.vector_store %arg2[%swap3A_107, %swap3A_108], %min3A {strides = array<i32>} : memref<8x1024xf32, #tpu.memory_space<vmem>>, vector<8x1024xf32>,
      scf.yield %select_n3A_100 : vector<8x9x128xf32>
    }
    %scan3A_56 = arith.constant 128 : i32
    %swap3A_57 = arith.constant 0 : index
    %swap3A_58 = arith.constant 0 : index
    %swap3A_59 = arith.constant 384 : index
    %swap3A_60 = vector.load %arg1[%swap3A_57, %swap3A_58, %swap3A_59] : memref<8x9x512xf32, #tpu.memory_space<vmem>>, vector<8x9x128xf32>
    tpu.vector_store %arg1[%swap3A_57, %swap3A_58, %swap3A_59], %scan3A_55 {strides = array<i32>} : memref<8x9x512xf32, #tpu.memory_space<vmem>>, vector<8x9x128xf32>,
    return
  }
}

module attributes {stable_mosaic.version = 14 : i64} {
  func.func @_topk_body(%arg0: i32, %arg1: i32, %arg2: memref<1x3x1024xf32, #tpu.memory_space<vmem>>, %arg3: memref<1x128x3xf32, #tpu.memory_space<vmem>>, %arg4: memref<1x128x64xi32, #tpu.memory_space<vmem>>, %arg5: memref<1x128x64xf32, #tpu.memory_space<vmem>>) attributes {dimension_semantics = [#tpu.dimension_semantics<arbitrary>, #tpu.dimension_semantics<arbitrary>], iteration_bounds = array<i64: 8, 4>, scalar_prefetch = 0 : i64, scratch_operands = 0 : i64, tpu.core_type = #tpu.core_type<tc>, window_params = [{transform_indices = @transform_0, window_bounds = array<i64: 1, 3, 1024>}, {transform_indices = @transform_1, window_bounds = array<i64: 1, 128, 3>}, {transform_indices = @transform_2, window_bounds = array<i64: 1, 128, 64>}, {transform_indices = @transform_3, window_bounds = array<i64: 1, 128, 64>}]} {
    %get3A = arith.constant 0 : index
    %get3A_0 = arith.constant 0 : index
    %get3A_1 = arith.constant 0 : index
    %get3A_2 = vector.load %arg2[%get3A, %get3A_0, %get3A_1] : memref<1x3x1024xf32, #tpu.memory_space<vmem>>, vector<1x3x1024xf32>
    %get3A_3 = vector.shape_cast %get3A_2 : vector<1x3x1024xf32> to vector<3x1024xf32>
    %get3A_4 = arith.constant 0 : index
    %get3A_5 = arith.constant 0 : index
    %get3A_6 = arith.constant 0 : index
    %get3A_7 = vector.load %arg3[%get3A_4, %get3A_5, %get3A_6] : memref<1x128x3xf32, #tpu.memory_space<vmem>>, vector<1x128x3xf32>
    %get3A_8 = vector.shape_cast %get3A_7 : vector<1x128x3xf32> to vector<128x3xf32>
    %slice3A = vector.extract_strided_slice %get3A_8 {offsets = [0, 0], sizes = [128, 1], strides = [1, 1]} : vector<128x3xf32> to vector<128x1xf32>
    %slice3A_9 = vector.extract_strided_slice %get3A_3 {offsets = [0, 0], sizes = [1, 1024], strides = [1, 1]} : vector<3x1024xf32> to vector<1x1024xf32>
    %sub3A = vector.broadcast %slice3A : vector<128x1xf32> to vector<128x1024xf32>
    %sub3A_10 = vector.broadcast %slice3A_9 : vector<1x1024xf32> to vector<128x1024xf32>
    %sub3A_11 = arith.subf %sub3A, %sub3A_10 : vector<128x1024xf32>
    %integer_pow3A = arith.mulf %sub3A_11, %sub3A_11 : vector<128x1024xf32>
    %slice3A_12 = vector.extract_strided_slice %get3A_8 {offsets = [0, 1], sizes = [128, 1], strides = [1, 1]} : vector<128x3xf32> to vector<128x1xf32>
    %slice3A_13 = vector.extract_strided_slice %get3A_3 {offsets = [1, 0], sizes = [1, 1024], strides = [1, 1]} : vector<3x1024xf32> to vector<1x1024xf32>
    %sub3A_14 = vector.broadcast %slice3A_12 : vector<128x1xf32> to vector<128x1024xf32>
    %sub3A_15 = vector.broadcast %slice3A_13 : vector<1x1024xf32> to vector<128x1024xf32>
    %sub3A_16 = arith.subf %sub3A_14, %sub3A_15 : vector<128x1024xf32>
    %integer_pow3A_17 = arith.mulf %sub3A_16, %sub3A_16 : vector<128x1024xf32>
    %add3A = arith.addf %integer_pow3A, %integer_pow3A_17 : vector<128x1024xf32>
    %slice3A_18 = vector.extract_strided_slice %get3A_8 {offsets = [0, 2], sizes = [128, 1], strides = [1, 1]} : vector<128x3xf32> to vector<128x1xf32>
    %slice3A_19 = vector.extract_strided_slice %get3A_3 {offsets = [2, 0], sizes = [1, 1024], strides = [1, 1]} : vector<3x1024xf32> to vector<1x1024xf32>
    %sub3A_20 = vector.broadcast %slice3A_18 : vector<128x1xf32> to vector<128x1024xf32>
    %sub3A_21 = vector.broadcast %slice3A_19 : vector<1x1024xf32> to vector<128x1024xf32>
    %sub3A_22 = arith.subf %sub3A_20, %sub3A_21 : vector<128x1024xf32>
    %integer_pow3A_23 = arith.mulf %sub3A_22, %sub3A_22 : vector<128x1024xf32>
    %add3A_24 = arith.addf %add3A, %integer_pow3A_23 : vector<128x1024xf32>
    %le3A = arith.constant 4.000000e-02 : f32
    %le3A_25 = vector.broadcast %le3A : f32 to vector<128x1024xf32>
    %le3A_26 = arith.cmpf ole, %add3A_24, %le3A_25 : vector<128x1024xf32>
    %convert_element_type3A = arith.extui %le3A_26 : vector<128x1024xi1> to vector<128x1024xi32>
    %reduce_sum3A = arith.constant dense<0> : vector<128xi32>
    %reduce_sum3A_27 = vector.multi_reduction <add>, %convert_element_type3A, %reduce_sum3A [1] : vector<128x1024xi32> to vector<128xi32>
    %broadcast_in_dim3A = vector.shape_cast %reduce_sum3A_27 : vector<128xi32> to vector<128x1xi32>
    %jit3A = arith.constant 0x7F800000 : f32
    %broadcast_in_dim3A_28 = vector.broadcast %jit3A : f32 to vector<128x1024xf32>
    %select_n3A = arith.select %le3A_26, %add3A_24, %broadcast_in_dim3A_28 : vector<128x1024xi1>, vector<128x1024xf32>
    %mul3A = arith.constant 1024 : i32
    %mul3A_29 = arith.muli %arg0, %mul3A : i32
    %iota3A = tpu.iota {dimensions = array<i32: 1>} : vector<128x1024xi32>
    %iota3A_30 = tpu.iota {dimensions = array<i32: 1>} : vector<128x64xi32>
    %reduce_max3A = vector.shape_cast %broadcast_in_dim3A : vector<128x1xi32> to vector<1x128x1xi32>
    %reduce_max3A_31 = arith.constant dense<-2147483648> : vector<1xi32>
    %reduce_max3A_32 = vector.multi_reduction <maxsi>, %reduce_max3A, %reduce_max3A_31 [1, 2] : vector<1x128x1xi32> to vector<1xi32>
    %reduce_max3A_33 = vector.shape_cast %reduce_max3A_32 : vector<1xi32> to vector<1x1x1xi32>
    %reduce_max3A_34 = vector.extract %reduce_max3A_33[0, 0, 0] : i32 from vector<1x1x1xi32>
    %min3A = arith.constant 64 : i32
    %min3A_35 = arith.minsi %reduce_max3A_34, %min3A : i32
    %broadcast_in_dim3A_36 = vector.broadcast %mul3A_29 : i32 to vector<128x64xi32>
    %while3A = arith.constant 0 : i32
    %while3A_37 = arith.subi %min3A_35, %while3A : i32
    %while3A_38 = arith.addi %while3A, %while3A_37 : i32
    %while3A_39 = arith.constant 1 : i32
    %while3A_40 = arith.divsi %while3A_37, %while3A_39 : i32
    %while3A_41 = arith.muli %while3A_40, %while3A_39 : i32
    %while3A_42 = arith.addi %while3A, %while3A_41 : i32
    %while3A_43 = arith.constant 1 : i32
    %while3A_44:2 = scf.for %while3A_61 = %while3A to %while3A_42 step %while3A_43 iter_args(%while3A_62 = %select_n3A, %while3A_63 = %broadcast_in_dim3A_36) -> (vector<128x1024xf32>, vector<128x64xi32>)  : i32 {
      %reduce_min3A = arith.constant dense<0x7F800000> : vector<128xf32>
      %reduce_min3A_64 = vector.multi_reduction <minimumf>, %while3A_62, %reduce_min3A [1] : vector<128x1024xf32> to vector<128xf32>
      %broadcast_in_dim3A_65 = vector.shape_cast %reduce_min3A_64 : vector<128xf32> to vector<128x1xf32>
      %eq3A = vector.broadcast %broadcast_in_dim3A_65 : vector<128x1xf32> to vector<128x1024xf32>
      %eq3A_66 = arith.cmpf oeq, %while3A_62, %eq3A : vector<128x1024xf32>
      %jit3A_67 = arith.constant 1024 : i32
      %broadcast_in_dim3A_68 = vector.broadcast %jit3A_67 : i32 to vector<128x1024xi32>
      %select_n3A_69 = arith.select %eq3A_66, %iota3A, %broadcast_in_dim3A_68 : vector<128x1024xi1>, vector<128x1024xi32>
      %reduce_min3A_70 = arith.constant dense<2147483647> : vector<128xi32>
      %reduce_min3A_71 = vector.multi_reduction <minsi>, %select_n3A_69, %reduce_min3A_70 [1] : vector<128x1024xi32> to vector<128xi32>
      %broadcast_in_dim3A_72 = vector.shape_cast %reduce_min3A_71 : vector<128xi32> to vector<128x1xi32>
      %eq3A_73 = vector.broadcast %broadcast_in_dim3A_72 : vector<128x1xi32> to vector<128x1024xi32>
      %eq3A_74 = arith.cmpi eq, %iota3A, %eq3A_73 : vector<128x1024xi32>
      %eq3A_75 = vector.broadcast %while3A_61 : i32 to vector<128x64xi32>
      %eq3A_76 = arith.cmpi eq, %iota3A_30, %eq3A_75 : vector<128x64xi32>
      %add3A_77 = vector.broadcast %mul3A_29 : i32 to vector<128x1xi32>
      %add3A_78 = arith.addi %broadcast_in_dim3A_72, %add3A_77 : vector<128x1xi32>
      %broadcast_in_dim3A_79 = vector.shape_cast %add3A_78 : vector<128x1xi32> to vector<128x1xi32>
      %broadcast_in_dim3A_80 = vector.broadcast %broadcast_in_dim3A_79 : vector<128x1xi32> to vector<128x64xi32>
      %select_n3A_81 = arith.select %eq3A_76, %broadcast_in_dim3A_80, %while3A_63 : vector<128x64xi1>, vector<128x64xi32>
      %jit3A_82 = arith.constant 0x7F800000 : f32
      %broadcast_in_dim3A_83 = vector.broadcast %jit3A_82 : f32 to vector<128x1024xf32>
      %select_n3A_84 = arith.select %eq3A_74, %broadcast_in_dim3A_83, %while3A_62 : vector<128x1024xi1>, vector<128x1024xf32>
      scf.yield %select_n3A_84, %select_n3A_81 : vector<128x1024xf32>, vector<128x64xi32>
    }
    %while3A_45 = arith.constant 1 : i32
    %while3A_46:2 = scf.for %while3A_61 = %while3A_42 to %while3A_38 step %while3A_45 iter_args(%while3A_62 = %while3A_44#0, %while3A_63 = %while3A_44#1) -> (vector<128x1024xf32>, vector<128x64xi32>)  : i32 {
      %reduce_min3A = arith.constant dense<0x7F800000> : vector<128xf32>
      %reduce_min3A_64 = vector.multi_reduction <minimumf>, %while3A_62, %reduce_min3A [1] : vector<128x1024xf32> to vector<128xf32>
      %broadcast_in_dim3A_65 = vector.shape_cast %reduce_min3A_64 : vector<128xf32> to vector<128x1xf32>
      %eq3A = vector.broadcast %broadcast_in_dim3A_65 : vector<128x1xf32> to vector<128x1024xf32>
      %eq3A_66 = arith.cmpf oeq, %while3A_62, %eq3A : vector<128x1024xf32>
      %jit3A_67 = arith.constant 1024 : i32
      %broadcast_in_dim3A_68 = vector.broadcast %jit3A_67 : i32 to vector<128x1024xi32>
      %select_n3A_69 = arith.select %eq3A_66, %iota3A, %broadcast_in_dim3A_68 : vector<128x1024xi1>, vector<128x1024xi32>
      %reduce_min3A_70 = arith.constant dense<2147483647> : vector<128xi32>
      %reduce_min3A_71 = vector.multi_reduction <minsi>, %select_n3A_69, %reduce_min3A_70 [1] : vector<128x1024xi32> to vector<128xi32>
      %broadcast_in_dim3A_72 = vector.shape_cast %reduce_min3A_71 : vector<128xi32> to vector<128x1xi32>
      %eq3A_73 = vector.broadcast %broadcast_in_dim3A_72 : vector<128x1xi32> to vector<128x1024xi32>
      %eq3A_74 = arith.cmpi eq, %iota3A, %eq3A_73 : vector<128x1024xi32>
      %eq3A_75 = vector.broadcast %while3A_61 : i32 to vector<128x64xi32>
      %eq3A_76 = arith.cmpi eq, %iota3A_30, %eq3A_75 : vector<128x64xi32>
      %add3A_77 = vector.broadcast %mul3A_29 : i32 to vector<128x1xi32>
      %add3A_78 = arith.addi %broadcast_in_dim3A_72, %add3A_77 : vector<128x1xi32>
      %broadcast_in_dim3A_79 = vector.shape_cast %add3A_78 : vector<128x1xi32> to vector<128x1xi32>
      %broadcast_in_dim3A_80 = vector.broadcast %broadcast_in_dim3A_79 : vector<128x1xi32> to vector<128x64xi32>
      %select_n3A_81 = arith.select %eq3A_76, %broadcast_in_dim3A_80, %while3A_63 : vector<128x64xi1>, vector<128x64xi32>
      %jit3A_82 = arith.constant 0x7F800000 : f32
      %broadcast_in_dim3A_83 = vector.broadcast %jit3A_82 : f32 to vector<128x1024xf32>
      %select_n3A_84 = arith.select %eq3A_74, %broadcast_in_dim3A_83, %while3A_62 : vector<128x1024xi1>, vector<128x1024xf32>
      scf.yield %select_n3A_84, %select_n3A_81 : vector<128x1024xf32>, vector<128x64xi32>
    }
    %swap3A = arith.constant 0 : index
    %swap3A_47 = arith.constant 0 : index
    %swap3A_48 = arith.constant 0 : index
    %swap3A_49 = vector.load %arg4[%swap3A, %swap3A_47, %swap3A_48] : memref<1x128x64xi32, #tpu.memory_space<vmem>>, vector<1x128x64xi32>
    %swap3A_50 = vector.shape_cast %swap3A_49 : vector<1x128x64xi32> to vector<128x64xi32>
    %swap3A_51 = vector.shape_cast %while3A_46#1 : vector<128x64xi32> to vector<1x128x64xi32>
    tpu.vector_store %arg4[%swap3A, %swap3A_47, %swap3A_48], %swap3A_51 {strides = array<i32>} : memref<1x128x64xi32, #tpu.memory_space<vmem>>, vector<1x128x64xi32>,
    %lt3A = vector.broadcast %broadcast_in_dim3A : vector<128x1xi32> to vector<128x64xi32>
    %lt3A_52 = arith.cmpi slt, %iota3A_30, %lt3A : vector<128x64xi32>
    %convert_element_type3A_53 = arith.extui %lt3A_52 : vector<128x64xi1> to vector<128x64xi32>
    %convert_element_type3A_54 = arith.sitofp %convert_element_type3A_53 : vector<128x64xi32> to vector<128x64xf32>
    %swap3A_55 = arith.constant 0 : index
    %swap3A_56 = arith.constant 0 : index
    %swap3A_57 = arith.constant 0 : index
    %swap3A_58 = vector.load %arg5[%swap3A_55, %swap3A_56, %swap3A_57] : memref<1x128x64xf32, #tpu.memory_space<vmem>>, vector<1x128x64xf32>
    %swap3A_59 = vector.shape_cast %swap3A_58 : vector<1x128x64xf32> to vector<128x64xf32>
    %swap3A_60 = vector.shape_cast %convert_element_type3A_54 : vector<128x64xf32> to vector<1x128x64xf32>
    tpu.vector_store %arg5[%swap3A_55, %swap3A_56, %swap3A_57], %swap3A_60 {strides = array<i32>} : memref<1x128x64xf32, #tpu.memory_space<vmem>>, vector<1x128x64xf32>,
    return
  }
  func.func @transform_0(%arg0: i32, %arg1: i32) -> (i32, i32, i32) {
    %c0_i32 = arith.constant 0 : i32
    %c0_i32_0 = arith.constant 0 : i32
    %c0_i32_1 = arith.constant 0 : i32
    return %arg0, %c0_i32, %c0_i32_0 : i32, i32, i32
  }
  func.func @transform_1(%arg0: i32, %arg1: i32) -> (i32, i32, i32) {
    %c0_i32 = arith.constant 0 : i32
    %c0_i32_0 = arith.constant 0 : i32
    return %arg0, %arg1, %c0_i32 : i32, i32, i32
  }
  func.func @transform_2(%arg0: i32, %arg1: i32) -> (i32, i32, i32) {
    %c0_i32 = arith.constant 0 : i32
    %c0_i32_0 = arith.constant 0 : i32
    return %arg0, %arg1, %c0_i32 : i32, i32, i32
  }
  func.func @transform_3(%arg0: i32, %arg1: i32) -> (i32, i32, i32) {
    %c0_i32 = arith.constant 0 : i32
    %c0_i32_0 = arith.constant 0 : i32
    return %arg0, %arg1, %c0_i32 : i32, i32, i32
  }
}

module attributes {stable_mosaic.version = 14 : i64} {
  func.func @_feat_body(%arg0: i32, %arg1: memref<1x1024x7xf32, #tpu.memory_space<vmem>>, %arg2: memref<7x128xf32, #tpu.memory_space<vmem>>, %arg3: memref<1x128xf32, #tpu.memory_space<vmem>>, %arg4: memref<1x1024x128xf32, #tpu.memory_space<vmem>>) attributes {dimension_semantics = [#tpu.dimension_semantics<arbitrary>], iteration_bounds = array<i64: 8>, scalar_prefetch = 0 : i64, scratch_operands = 0 : i64, tpu.core_type = #tpu.core_type<tc>, window_params = [{transform_indices = @transform_0, window_bounds = array<i64: 1, 1024, 7>}, {pipeline_mode = #tpu.pipeline_mode<synchronous>, transform_indices = @transform_1, window_bounds = array<i64: 7, 128>}, {pipeline_mode = #tpu.pipeline_mode<synchronous>, transform_indices = @transform_2, window_bounds = array<i64: 1, 128>}, {transform_indices = @transform_3, window_bounds = array<i64: 1, 1024, 128>}]} {
    %get3A = arith.constant 0 : index
    %get3A_0 = arith.constant 0 : index
    %get3A_1 = arith.constant 0 : index
    %get3A_2 = vector.load %arg1[%get3A, %get3A_0, %get3A_1] : memref<1x1024x7xf32, #tpu.memory_space<vmem>>, vector<1x1024x7xf32>
    %get3A_3 = vector.shape_cast %get3A_2 : vector<1x1024x7xf32> to vector<1024x7xf32>
    %get3A_4 = arith.constant 0 : index
    %get3A_5 = arith.constant 0 : index
    %get3A_6 = vector.load %arg2[%get3A_4, %get3A_5] : memref<7x128xf32, #tpu.memory_space<vmem>>, vector<7x128xf32>
    %dot_general3A = arith.constant dense<0.000000e+00> : vector<1024x128xf32>
    %dot_general3A_7 = tpu.matmul %get3A_3, %get3A_6, %dot_general3A {dimension_numbers = #tpu.dot_dimension_numbers<[1], [0], [0], [1], [0, 0, 1, 1], [], []>, transpose_lhs_hint = false} : vector<1024x7xf32>, vector<7x128xf32>, vector<1024x128xf32> -> vector<1024x128xf32>
    %get3A_8 = arith.constant 0 : index
    %get3A_9 = arith.constant 0 : index
    %get3A_10 = vector.load %arg3[%get3A_8, %get3A_9] : memref<1x128xf32, #tpu.memory_space<vmem>>, vector<1x128xf32>
    %add3A = vector.broadcast %get3A_10 : vector<1x128xf32> to vector<1024x128xf32>
    %add3A_11 = arith.addf %dot_general3A_7, %add3A : vector<1024x128xf32>
    %swap3A = arith.constant 0 : index
    %swap3A_12 = arith.constant 0 : index
    %swap3A_13 = arith.constant 0 : index
    %swap3A_14 = vector.load %arg4[%swap3A, %swap3A_12, %swap3A_13] : memref<1x1024x128xf32, #tpu.memory_space<vmem>>, vector<1x1024x128xf32>
    %swap3A_15 = vector.shape_cast %swap3A_14 : vector<1x1024x128xf32> to vector<1024x128xf32>
    %swap3A_16 = vector.shape_cast %add3A_11 : vector<1024x128xf32> to vector<1x1024x128xf32>
    tpu.vector_store %arg4[%swap3A, %swap3A_12, %swap3A_13], %swap3A_16 {strides = array<i32>} : memref<1x1024x128xf32, #tpu.memory_space<vmem>>, vector<1x1024x128xf32>,
    return
  }
  func.func @transform_0(%arg0: i32) -> (i32, i32, i32) {
    %c0_i32 = arith.constant 0 : i32
    %c0_i32_0 = arith.constant 0 : i32
    %c0_i32_1 = arith.constant 0 : i32
    return %arg0, %c0_i32, %c0_i32_0 : i32, i32, i32
  }
  func.func @transform_1(%arg0: i32) -> (i32, i32) {
    %c0_i32 = arith.constant 0 : i32
    %c0_i32_0 = arith.constant 0 : i32
    %c0_i32_1 = arith.constant 0 : i32
    return %c0_i32, %c0_i32_0 : i32, i32
  }
  func.func @transform_2(%arg0: i32) -> (i32, i32) {
    %c0_i32 = arith.constant 0 : i32
    %c0_i32_0 = arith.constant 0 : i32
    %c0_i32_1 = arith.constant 0 : i32
    return %c0_i32, %c0_i32_0 : i32, i32
  }
  func.func @transform_3(%arg0: i32) -> (i32, i32, i32) {
    %c0_i32 = arith.constant 0 : i32
    %c0_i32_0 = arith.constant 0 : i32
    %c0_i32_1 = arith.constant 0 : i32
    return %arg0, %c0_i32, %c0_i32_0 : i32, i32, i32
  }
}

</mosaic_0001>

<sc_bundles>
// kernel: _probe.6.cloned.1.call-start
scs
__scs_entry_jumppad:
0x0: {  	(pc) =	sbr.rel $0x88, $3  }
0x1: {  	(tag) =	ssettag $0x0;
	lr =	simm.s32 $0x1  }
0x2: {  	[smem:$0x3F9E] =	sst lr;
	_ =	strace $0xD0000000  }
0x3: {  	_ = 	snop  }
0x4: {  	_ = 	snop  }
0x5: {  	_ = 	snop  }
0x6: {  	_ = 	snop  }
0x7: {  	_ = 	snop  }
__scs_overlays_trampoline_lowered:
0x8: {  	[smem:$0x3FAD] =	sst s0  }
0x9: {  	[smem:$0x3FAE] =	sst s1  }
0xa: {  	[smem:$0x3FAF] =	sst s2  }
0xb: {  	[smem:$0x3FB0] =	sst s3  }
0xc: {  	[smem:$0x3FB1] =	sst s4  }
0xd: {  	[smem:$0x3FB2] =	sst s5  }
0xe: {  	[smem:$0x3FB3] =	sst s6  }
0xf: {  	[smem:$0x3FB4] =	sst s7  }
0x10: {  	[smem:$0x3FB5] =	sst s8  }
0x11: {  	[smem:$0x3FB6] =	sst s9;
	s0 =	simm.s32 @!p0 $0x0  }
0x12: {  	s1 =	sld [smem:$0x3F9C];
	s0 =	simm.s32 @p0 $0x1  }
0x13: {  	[smem:$0x3FB7] =	sst s0;
	s0 =	simm.s32 @!p1 $0x0  }
0x14: {  	s2 =	sld [smem:$0x3F9B];
	s0 =	simm.s32 @p1 $0x1  }
0x15: {  	[smem:$0x3FB8] =	sst s0;
	s0 =	simm.s32 @!p2 $0x0  }
0x16: {  	s3 =	sld [smem:$0x3FDB];
	s0 =	simm.s32 @p2 $0x1  }
0x17: {  	s4 =	simm.s32 $0x1BF5;
	[smem:$0x3FBA] =	sst s0  }
0x18: {  	s0 =	sld [smem:$0x3F9D];
	_ =	swait.ge [sflag:s4], $0x0  }
0x19: {  	s7 =	sld [smem:$0x3F9E]  }
0x1a: {  	s8 =	sadd.s32 $0xFFFFE003, lr  }
0x1b: {  	s9 =	sadd.s32 $0xFFFFFEF7, lr;
	s5 =	simm.s32 $0xFFFFFFFF;
	p2 =	slt.u32 s8, $0xFFFFF086  }
0x1c: {  	p1 =	slt.u32 s9, $0xF7A;
	s5 =	simm.s32 @!p2 $0x0  }
0x1d: {  	s5 =	simm.s32 @p1 $0x1;
	p0 =	seq.s32 s7, s2  }
0x1e: {  	s7 =	smul.u32 @!p0 $0xF7A, s2;
	p2 =	seq.s32 @!p0 s5, $0x0  }
0x1f: {  	s9 =	smul.u32 $0xF7A, s1;
	s8 =	simm.s32 @!p0 $0x1BF5;
	p2 =	por !p2, p0  }
0x20: {  	[sflag:s8] =	ssyncset.s32 @!p0 $0xFFFFF086;
	s6 =	sadd.s32 @!p0 s3, s7;
	s7 =	simm.s32 @!p0 $0x108  }
0x21: {  	s3 =	sadd.s32 s3, s9;
	s6 =	sadd.s32 @!p0 $0x88, s6;
	s7 =	simm.s32 @p2 $0x1082  }
0x22: {  	[simem:s7], [sflag:s8] =	dma.local @!p0 [hbm:s6], $0xF7A  }
0x23: {  	s9 =	sor.u32 $0xD0000000, s2;
	s6 =	simm.s32 $0x108;
	_ =	swait.ge @!p0 [sflag:s8], $0x0  }
0x24: {  	s3 =	sadd.s32 $0x88, s3;
	s6 =	simm.s32 @!p1 $0x1082;
	[sflag:s4] =	ssyncset.s32 $0xFFFFF086  }
0x25: {  	[simem:s6], [sflag:s4] =	dma.local [hbm:s3], $0xF7A  }
0x26: {  	[smem:$0x3F9E] =	sst s1;
	(tag) =	ssettag s2;
	_ =	strace s9  }
0x27: {  	s1 =	sld [smem:$0x3FAE]  }
0x28: {  	s2 =	sld [smem:$0x3FAF]  }
0x29: {  	s4 =	sld [smem:$0x3FB1]  }
0x2a: {  	p0 =	seq.s32 s5, $0x0;
	s5 =	sld [smem:$0x3FB2]  }
0x2b: {  	s6 =	sld [smem:$0x3FB3]  }
0x2c: {  	s7 =	sld [smem:$0x3FB4]  }
0x2d: {  	s3 =	simm.s32 $0x108;
	s8 =	sld [smem:$0x3FB5]  }
0x2e: {  	s3 =	simm.s32 @!p0 $0x1082;
	s9 =	sld [smem:$0x3FB6]  }
0x2f: {  	lr =	sadd.s32 s0, s3;
	s0 =	sld [smem:$0x3FAD]  }
0x30: {  	s3 =	sld [smem:$0x3FB0]  }
0x31: {  	[smem:$0x3FB9] =	sst s10  }
0x32: {  	s10 =	sld [smem:$0x3FB7];
	_ =	sdelay $0x3  }
0x33: {  	p0 =	seq.s32 s10, $0x1;
	s10 =	sld [smem:$0x3FB9];
	_ =	sdelay $0x3  }
0x34: {  	[smem:$0x3FB9] =	sst s10  }
0x35: {  	s10 =	sld [smem:$0x3FB8];
	_ =	sdelay $0x3  }
0x36: {  	p1 =	seq.s32 s10, $0x1;
	s10 =	sld [smem:$0x3FB9];
	_ =	sdelay $0x3  }
0x37: {  	[smem:$0x3FB9] =	sst s10  }
0x38: {  	s10 =	sld [smem:$0x3FBA]  }
0x39: {  	_ = 	snop;
	(pc) =	sbr.ind lr, $3  }
0x3a: {  	_ = 	snop  }
0x3b: {  	_ = 	snop  }
0x3c: {  	p2 =	seq.s32 s10, $0x1;
	s10 =	sld [smem:$0x3FB9]  }
0x3d: {  	_ =	shalt  }
0x3e: {  	_ =	shalt  }
0x3f: {  	_ =	shalt  }
0x40: {  	_ =	shalt  }
0x41: {  	_ =	shalt  }
0x42: {  	_ =	shalt  }
0x43: {  	_ =	shalt  }
0x44: {  	_ =	shalt  }
0x45: {  	_ =	shalt  }
0x46: {  	_ =	shalt  }
0x47: {  	_ =	shalt  }
0x48: {  	_ =	shalt  }
0x49: {  	_ =	shalt  }
0x4a: {  	_ =	shalt  }
0x4b: {  	_ =	shalt  }
0x4c: {  	_ =	shalt  }
0x4d: {  	_ =	shalt  }
0x4e: {  	_ =	shalt  }
0x4f: {  	_ =	shalt  }
0x50: {  	_ =	shalt  }
0x51: {  	_ =	shalt  }
0x52: {  	_ =	shalt  }
0x53: {  	_ =	shalt  }
0x54: {  	_ =	shalt  }
0x55: {  	_ =	shalt  }
0x56: {  	_ =	shalt  }
0x57: {  	_ =	shalt  }
0x58: {  	_ =	shalt  }
0x59: {  	_ =	shalt  }
0x5a: {  	_ =	shalt  }
0x5b: {  	_ =	shalt  }
0x5c: {  	_ =	shalt  }
0x5d: {  	_ =	shalt  }
0x5e: {  	_ =	shalt  }
0x5f: {  	_ =	shalt  }
0x60: {  	_ =	shalt  }
0x61: {  	_ =	shalt  }
0x62: {  	_ =	shalt  }
0x63: {  	_ =	shalt  }
0x64: {  	_ =	shalt  }
0x65: {  	_ =	shalt  }
0x66: {  	_ =	shalt  }
0x67: {  	_ =	shalt  }
0x68: {  	_ =	shalt  }
0x69: {  	_ =	shalt  }
0x6a: {  	_ =	shalt  }
0x6b: {  	_ =	shalt  }
0x6c: {  	_ =	shalt  }
0x6d: {  	_ =	shalt  }
0x6e: {  	_ =	shalt  }
0x6f: {  	_ =	shalt  }
0x70: {  	_ =	shalt  }
0x71: {  	_ =	shalt  }
0x72: {  	_ =	shalt  }
0x73: {  	_ =	shalt  }
0x74: {  	_ =	shalt  }
0x75: {  	_ =	shalt  }
0x76: {  	_ =	shalt  }
0x77: {  	_ =	shalt  }
0x78: {  	_ =	shalt  }
0x79: {  	_ =	shalt  }
0x7a: {  	_ =	shalt  }
0x7b: {  	_ =	shalt  }
0x7c: {  	_ =	shalt  }
0x7d: {  	_ =	shalt  }
0x7e: {  	_ =	shalt  }
0x7f: {  	_ =	shalt  }
0x80: {  	_ =	shalt  }
0x81: {  	_ =	shalt  }
0x82: {  	_ =	shalt  }
0x83: {  	_ =	shalt  }
0x84: {  	_ =	shalt  }
0x85: {  	_ =	shalt  }
0x86: {  	_ =	shalt  }
0x87: {  	_ =	shalt  }
.Lfunc_end0:
.L_simem_size_0:
called_computation_lowered:
.L_overlay_start_0:
0x88: {  	s2 =	sld [smem:$0x3FD9]  }
0x89: {  	s3 =	sld [smem:$0x3FFE];
	_ =	sdelay $0x1  }
0x8a: {  	s1 =	srdreg.scid  }
0x8b: {  	s0 =	sand.u32 $0x1, s1  }
0x8c: {  	s16 =	sshll.u32 s0, $0xA;
	s2 =	sadd.s32 s3, s2  }
0x8d: {  	s2 =	sadd.s32 s2, s16  }
0x8e: {  	[smem:$0x3FC5] =	sst s2  }
0x8f: {  	_ = 	snop  }
0x90: {  	(tm) =	ssettm $0x1  }
0x91: {  	s17 =	sld [smem:$0x3FFB];
	_ =	sdelay $0x3  }
0x92: {  	_ =	strace s17  }
0x93: {  	s2 =	sld [smem:$0x3FFC];
	_ =	sdelay $0x3  }
0x94: {  	_ =	strace s2  }
0x95: {  	s2 =	sld [smem:$0x3FFD];
	_ =	sdelay $0x3  }
0x96: {  	_ =	strace s2  }
0x97: {  	_ =	strace $0x8FFFFFFF  }
0x98: {  	s18 =	sld [smem:$0x3FDB];
	_ =	sdelay $0x1  }
0x99: {  	s19 =	simm.s32 $_scs_section_size  }
0x9a: {  	s4 =	simm.s32 $_size__tile_overlayer_lowered;
	s5 =	simm.s32 $_tile_overlayer_lowered  }
0x9b: {  	s22 =	simm.s32 $0x1BFF;
	s21 =	sshll.u32 s5, $0x1;
	s2 =	sadd.s32 s19, s18  }
0x9c: {  	s6 =	simm.s32 $0x0;
	s20 =	sshll.u32 s4, $0x1;
	s4 =	sadd.s32 s21, s2  }
0x9d: {  	[timem:s6], [sflag:s22] =	dma.local [hbm:s4], s20  }
0x9e: {  	_ =	swait.ge [sflag:s22], s20  }
0x9f: {  	s3 =	ssub.s32 $0x0, s20;
	[sflag:s22] =	ssyncset.done $0x0  }
0xa0: {  	[sflag:s22] =	ssyncadd.s32 s3;
	_ =	sdelay $0x1  }
0xa1: {  	s23 =	simm.s32 $0x1B8B  }
0xa2: {  	_ =	swait.ge [sflag:s23], $0x1  }
0xa3: {  	[sflag:s23] =	ssyncset.done $0x0  }
0xa4: {  	s25 =	simm.s32 $0x1B8E;
	s24 =	sld [smem:$0x3FFE];
	[sflag:s23] =	ssyncadd.s32 $0xFFFFFFFF  }
0xa5: {  	s26 =	simm.s32 $execute0_lowered;
	[smem:$0x3FD2] =	sst s25  }
0xa6: {  	s4 =	sshll.u32 s26, $0x1;
	_ =	strace $0x80000046;
	[dreg:$0x1] =	wrdreg $0xFFFFFFFF  }
0xa7: {  	s28 =	simm.s32 $_size_execute0_lowered;
	s2 =	sadd.s32 s2, s4;
	[dreg:$0x0] =	wrdreg $0x0  }
0xa8: {  	s4 =	sshll.u32 s28, $0x1;
	[dreg:$0x2] =	wrdreg s2  }
0xa9: {  	[dreg:$0x3] =	wrdreg s4  }
0xaa: {  	[dreg:$0x4] =	wrdreg $0xC0  }
0xab: {  	_ =	task [dreg:s6], $0x5FFFF  }
0xac: {  	[dreg:$0x1] =	wrdreg $0xFFFFFFFF  }
0xad: {  	[dreg:$0x0] =	wrdreg $0x60  }
0xae: {  	[dreg:$0x2] =	wrdreg s24  }
0xaf: {  	[dreg:$0x3] =	wrdreg $0x9  }
0xb0: {  	_ =	task.clear_ibuf [dreg:s6], $0x4FFFF;
	_ =	strace $0x90000046  }
0xb1: {  	s29 =	simm.s32 $0x9;
	_ =	strace $0x80000048  }
0xb2: {  	_ =	swait.ge [sflag:s29], $0x1  }
0xb3: {  	[sflag:s29] =	ssyncadd.s32 $0xFFFFFFFF  }
0xb4: {  	_ =	strace $0x90000048  }
0xb5: {  	_ =	sfence  }
0xb6: {  	s30 =	sld [smem:$0x0];
	_ =	sdelay $0x2  }
0xb7: {  	s31 =	sshll.u32 s1, $0xD;
	s1 =	sshrl.u32 s1, $0x2  }
0xb8: {  	s3 =	sand.u32 $0x4000, s31;
	s1 =	sadd.s32 s1, s30  }
0xb9: {  	s0 =	sor.u32 s3, s0;
	s1 =	sshll.u32 s1, $0x11  }
0xba: {  	s0 =	sor.u32 s1, s0  }
0xbb: {  	s0 =	sadd.s32 $0x8F2B, s0  }
0xbc: {  	[sflag:s0] =	ssyncadd.remote.s32 $0x1  }
0xbd: {  	_ =	sfence.sel $0xFFFF  }
0xbe: {  	[dreg:$0x0] =	wrdreg $0xFFFFFFFF;
	(pc) =	sbr.abs _section_cstart, $3  }
0xbf: {  	[dreg:$0x1] =	wrdreg $0xFFFFFFFF  }
0xc0: {  	_ =	task.clear_ibuf [dreg:s6], $0x2FFFF;
	_ =	strace $0x9FFFFFFF  }
0xc1: {  	(tm) =	ssettm $0x7FFFFFFF  }
tec
execute0_lowered:
.L_overlay_start_1:
0x0: {  	(tag) =	ssettag $0x1  }
0x1: {  	s4 =	rddreg [dreg:$0x0]  }
0x2: {  	s0 =	rddreg [dreg:$0x1];
	s3 =	srdreg.scid;
	s2 =	simm.s32 $0x0  }
0x3: {  	s1 =	stileid.u32;
	s9 =	simm.s32 $0x2000;
	s10 =	simm.s32 $0x6000  }
0x4: {  	s11 =	simm.s32 $0x100;
	s12 =	simm.s32 $0xA000;
	s13 =	simm.s32 $0x180  }
0x5: {  	s14 =	simm.s32 $0xE000;
	s15 =	simm.s32 $0x1;
	s16 =	simm.s32 $0x2  }
0x6: {  	s17 =	simm.s32 $0x3;
	s18 =	simm.s32 $0x4;
	s19 =	simm.s32 $0x0  }
0x7: {  	s5 =	sand.u32 $0x1, s3;
	[smem:$0x7FF] =	sst s2;
	s6 =	sshll.u32 s1, $0xB  }
0x8: {  	s3 =	sadd.s32 $0x28000, s4;
	s29 =	sshll.u32 s1, $0x12;
	s7 =	sshll.u32 s5, $0xA  }
.Ltmp0:
0x9: {  	_ =	strace $0x80000047;
	s8 =	ssub.s32 $0x2, s5;
	(pc) =	sbr.rel .LBB2_1-.Ltmp0, $4  }
0xa: {  	s5 =	sshll.u32 s5, $0x11;
	s6 =	sor.u32 s7, s6;
	s30 =	sshrl.u32 s8, $0x1  }
0xb: {  	s7 =	sadd.s32 s29, s4;
	s6 =	sadd.s32 s6, s4;
	s8 =	ssub.s32 s8, s30  }
0xc: {  	s31 =	sadd.s32 s5, s7;
	s7 =	simm.s32 $0x5;
	s4 =	sadd.s32 $0x20000, s6  }
0xd: {  	s5 =	smax.u32 s8, $0x1;
	s6 =	sadd.s32 $0x48000, s31;
	s8 =	simm.s32 $0x80  }
.LBB2_4:
0xe: {  	s19 =	sadd.s32 $0x1, s19  }
0xf: {  	p0 =	sne.s32 s19, s5  }
.Ltmp1:
0x10: {  	_ = 	snop;
	(pc) =	sbr.rel @!p0 .LBB2_5-.Ltmp1, $1  }
0x11: {  	_ =	sdelay $0x3  }
.LBB2_1:
0x12: {  	[tilespmem:s2], [sflag:$0x5] =	stream.linear.gather [hbm4b:s4+s2], $0x2000, $0x38;
	[tilespmem:$0x12000] =	vst v63  }
0x13: {  	_ =	swait.ge [sflag:s7], $0x2000  }
0x14: {  	[sflag:s7] =	ssyncset.done $0x0  }
0x15: {  	[sflag:s7] =	ssyncadd.s32 $0xFFFFE000  }
0x16: {  	[tilespmem:s9], [sflag:$0x1] =	stream.indirect.gather [hbm4b:s3+s8], $0x80, s2, s8, $0xb8;
	[tilespmem:$0x12000] =	vst v63  }
0x17: {  	_ = 	snop  }
0x18: {  	[tilespmem:s10], [sflag:$0x2] =	stream.indirect.gather [hbm4b:s3+s8], $0x80, s8, s8, $0xb8;
	[tilespmem:$0x12000] =	vst v63  }
0x19: {  	_ = 	snop  }
0x1a: {  	[tilespmem:s12], [sflag:$0x3] =	stream.indirect.gather [hbm4b:s3+s8], $0x80, s11, s8, $0xb8;
	[tilespmem:$0x12000] =	vst v63  }
0x1b: {  	s20 =	smov.u32 s6;
	s21 =	simm.s32 $0x0  }
0x1c: {  	[tilespmem:s14], [sflag:$0x4] =	stream.indirect.gather [hbm4b:s3+s8], $0x80, s13, s8, $0xb8;
	[tilespmem:$0x12000] =	vst v63  }
.LBB2_2:
0x1d: {  	_ =	swait.ge [sflag:s15], $0x4000  }
0x1e: {  	[sflag:s15] =	ssyncset.done $0x0  }
0x1f: {  	[sflag:s15] =	ssyncadd.s32 $0xFFFFC000  }
0x20: {  	[hbm4b:s20+s2] =	stream.linear.scatter [tilespmem:s9], [sflag:$0x5], $0x4000, $0x38;
	[tilespmem:$0x12000] =	vst v63  }
0x21: {  	p0 =	seq.s32 s21, $0x7800;
	_ =	swait.ge [sflag:s7], $0x4000  }
0x22: {  	s22 =	sshra.s32 @!p0 s21, $0x2;
	s24 =	simm.s32 @!p0 $0x80;
	[sflag:s7] =	ssyncset.done $0x0  }
0x23: {  	s25 =	simm.s32 @!p0 $0x2000;
	s23 =	sadd.s32 @!p0 $0x200, s22;
	[sflag:s7] =	ssyncadd.s32 $0xFFFFC000  }
0x24: {  	[tilespmem:s25], [sflag:$0x1] =	stream.indirect.gather @!p0 [hbm4b:s3+s24], $0x80, s23, s24, $0xb8;
	[tilespmem:$0x12000] =	vst v63  }
0x25: {  	_ =	swait.ge [sflag:s16], $0x4000  }
0x26: {  	[sflag:s16] =	ssyncset.done $0x0  }
0x27: {  	s29 =	sadd.s32 $0x800, s20;
	[sflag:s16] =	ssyncadd.s32 $0xFFFFC000  }
0x28: {  	[hbm4b:s29+s2] =	stream.linear.scatter [tilespmem:s10], [sflag:$0x5], $0x4000, $0x38;
	[tilespmem:$0x12000] =	vst v63  }
0x29: {  	_ =	swait.ge [sflag:s7], $0x4000  }
0x2a: {  	[sflag:s7] =	ssyncset.done $0x0  }
0x2b: {  	s23 =	sadd.s32 @!p0 $0x280, s22;
	s25 =	simm.s32 @!p0 $0x6000;
	[sflag:s7] =	ssyncadd.s32 $0xFFFFC000  }
0x2c: {  	[tilespmem:s25], [sflag:$0x2] =	stream.indirect.gather @!p0 [hbm4b:s3+s24], $0x80, s23, s24, $0xb8;
	[tilespmem:$0x12000] =	vst v63  }
0x2d: {  	_ =	swait.ge [sflag:s17], $0x4000  }
0x2e: {  	[sflag:s17] =	ssyncset.done $0x0  }
0x2f: {  	s30 =	sadd.s32 $0x1000, s20;
	[sflag:s17] =	ssyncadd.s32 $0xFFFFC000  }
0x30: {  	[hbm4b:s30+s2] =	stream.linear.scatter [tilespmem:s12], [sflag:$0x5], $0x4000, $0x38;
	[tilespmem:$0x12000] =	vst v63  }
0x31: {  	_ =	swait.ge [sflag:s7], $0x4000  }
0x32: {  	[sflag:s7] =	ssyncset.done $0x0  }
0x33: {  	s22 =	sadd.s32 @!p0 $0x300, s22;
	s23 =	simm.s32 @!p0 $0xA000;
	[sflag:s7] =	ssyncadd.s32 $0xFFFFC000  }
0x34: {  	[tilespmem:s23], [sflag:$0x3] =	stream.indirect.gather @!p0 [hbm4b:s3+s24], $0x80, s22, s24, $0xb8;
	[tilespmem:$0x12000] =	vst v63  }
0x35: {  	_ =	swait.ge [sflag:s18], $0x4000  }
0x36: {  	[sflag:s18] =	ssyncset.done $0x0  }
.Ltmp2:
0x37: {  	s31 =	sadd.s32 $0x1800, s20;
	[sflag:s18] =	ssyncadd.s32 $0xFFFFC000;
	(pc) =	sbr.rel @p0 .LBB2_4-.Ltmp2, $4  }
0x38: {  	[hbm4b:s31+s2] =	stream.linear.scatter [tilespmem:s14], [sflag:$0x5], $0x4000, $0x38;
	[tilespmem:$0x12000] =	vst v63  }
0x39: {  	_ =	swait.ge [sflag:s7], $0x4000  }
0x3a: {  	[sflag:s7] =	ssyncset.done $0x0  }
0x3b: {  	[sflag:s7] =	ssyncadd.s32 $0xFFFFC000  }
.Ltmp3:
0x3c: {  	(pc) =	sbr.rel .LBB2_2-.Ltmp3, $4  }
0x3d: {  	_ = 	snop  }
0x3e: {  	s22 =	sshra.s32 s21, $0x2  }
0x3f: {  	s21 =	sadd.s32 $0x800, s21;
	s20 =	sadd.s32 $0x2000, s20;
	s22 =	sadd.s32 $0x380, s22  }
0x40: {  	[tilespmem:s14], [sflag:$0x4] =	stream.indirect.gather [hbm4b:s3+s8], $0x80, s22, s8, $0xb8;
	[tilespmem:$0x12000] =	vst v63  }
.LBB2_5:
0x41: {  	_ =	sfence.sel $0x180000  }
0x42: {  	[bflag:$0x0] =	sbarrier.arrive $0xFFFF  }
0x43: {  	p0 =	sne.s32 s1, $0x0;
	_ =	strace $0x90000047  }
0x44: {  	s0 =	sadd.s32 @!p0 $0x100000, s0;
	[bflag:$0x2] =	sbarrier.arrive $0xFFFF  }
0x45: {  	[sflag:s0] =	ssyncadd.tile.s32 @!p0 $0x1;
	_ =	shalt  }
.Lfunc_end2:
_tile_overlayer_lowered:
.L_overlay_start_2:
0x46: {  	(tag) =	ssettag $0x2  }
0x47: {  	s0 =	rddreg [dreg:$0x0];
	s2 =	stileid.u32  }
0x48: {  	s1 =	rddreg [dreg:$0x1];
	p0 =	sne.s32 s2, $0x0  }
0x49: {  	s3 =	rddreg [dreg:$0x2];
	[bflag:$0x3] =	sbarrier.arrive $0xFFFF;
	s2 =	simm.s32 @!p0 $0x1C05  }
0x4a: {  	[timem:s3], [sflag:s2] =	dma.local @!p0 [hbm:s0], s1  }
0x4b: {  	s0 =	simm.s32 @!p0 $0x5  }
0x4c: {  	_ =	swait.ge @!p0 [sflag:s0], s1  }
0x4d: {  	s1 =	ssub.s32 @!p0 $0x0, s1;
	[sflag:s0] =	ssyncset.done @!p0 $0x0  }
0x4e: {  	[sflag:s0] =	ssyncadd.s32 @!p0 s1  }
0x4f: {  	[bflag:$0x3] =	sbarrier.arrive $0xFFFF  }
0x50: {  	_ =	shalt  }

</sc_bundles>
